<compile_context>
chip_gen: v7x
topology: tpu7x:2x2x1
jax: 0.10.2.dev20260603
libtpu: 0.0.44.dev20260713+nightly
codegen_flags: <defaults>
</compile_context>

<pallas_src>
import jax
import jax.numpy as jnp
from jax import lax
from jax.experimental import pallas as pl
from jax.experimental.pallas import tpu as pltpu
from jax.experimental.pallas import tpu_sc as plsc

T = 2048
H = 1024
I = 512
IS = 1024
E = 16

BM = 256
NM = T // BM
BM2 = 256
NM2 = T // BM2
NW = 32
CHUNK = T // NW


def _iround(x):
    return (x + 0.5).astype(jnp.int32)


def _prep_body(rw_ref, x_ref, xs_ref, eid_ref, rank_ref, oinc_ref, oexc_ref,
               pos_ref, slo_ref, rc_ref):
    m = pl.program_id(0)
    x_blk = x_ref[...]
    logits = lax.dot_general(x_blk, rw_ref[...], (((1,), (1,)), ((), ())),
                             preferred_element_type=jnp.float32)
    mx = jnp.max(logits, axis=1, keepdims=True)
    col = lax.broadcasted_iota(jnp.int32, (BM, E), 1)
    idx = jnp.min(jnp.where(logits == mx, col, E), axis=1, keepdims=True)
    wt = jax.nn.sigmoid(mx)
    xs_ref[...] = x_blk * wt

    onehot = jnp.where(col == idx, 1.0, 0.0)

    @pl.when(m == 0)
    def _():
        rc_ref[...] = jnp.zeros((1, E), jnp.float32)

    ri = lax.broadcasted_iota(jnp.int32, (BM, BM), 0)
    ci = lax.broadcasted_iota(jnp.int32, (BM, BM), 1)
    lt = jnp.where(ci < ri, 1.0, 0.0)
    ranks_blk = lax.dot_general(lt, onehot, (((1,), (0,)), ((), ())),
                                precision=lax.Precision.HIGHEST,
                                preferred_element_type=jnp.float32)
    rank_rows = jnp.sum(onehot * (ranks_blk + rc_ref[...]), axis=1,
                        keepdims=True)

    eye = jnp.where(ci == ri, 1.0, 0.0)
    rank_t = lax.dot_general(rank_rows, eye, (((0,), (0,)), ((), ())),
                             precision=lax.Precision.HIGHEST,
                             preferred_element_type=jnp.float32)
    eid_t = lax.dot_general(idx.astype(jnp.float32), eye,
                            (((0,), (0,)), ((), ())),
                            precision=lax.Precision.HIGHEST,
                            preferred_element_type=jnp.float32)
    rank_ref[pl.ds(m, 1), :] = _iround(rank_t)
    eid_ref[pl.ds(m, 1), :] = _iround(eid_t)

    rc_new = rc_ref[...] + jnp.sum(onehot, axis=0, keepdims=True)
    rc_ref[...] = rc_new

    @pl.when(m == NM - 1)
    def _():
        ri16 = lax.broadcasted_iota(jnp.int32, (E, E), 0)
        ci16 = lax.broadcasted_iota(jnp.int32, (E, E), 1)
        ut = jnp.where(ri16 <= ci16, 1.0, 0.0)
        oinc = lax.dot_general(rc_new, ut, (((1,), (0,)), ((), ())),
                               precision=lax.Precision.HIGHEST,
                               preferred_element_type=jnp.float32)
        oinc_i = _iround(oinc)
        oexc_i = _iround(oinc - rc_new)
        oinc_ref[...] = oinc_i
        oexc_ref[...] = oexc_i

        lane16 = lax.broadcasted_iota(jnp.int32, (1, E), 1)
        oexc_f = oexc_i.astype(jnp.float32)
        ids2d = eid_ref[...]
        pacc = rank_ref[...]
        for e in range(E):
            sc = _iround(jnp.sum(jnp.where(lane16 == e, oexc_f, 0.0)))
            pacc = jnp.where(ids2d == e, pacc + sc, pacc)
        pos_ref[...] = pacc

        lane = lax.broadcasted_iota(jnp.int32, (1, W), 1)
        r16 = lax.broadcasted_iota(jnp.int32, (E, W), 0)
        c16 = lax.broadcasted_iota(jnp.int32, (E, W), 1)
        sel = jnp.where(c16 == r16 + NM2 + 1, 1.0, 0.0)
        oinc_lane = lax.dot_general(oinc_i.astype(jnp.float32), sel,
                                    (((1,), (0,)), ((), ())),
                                    precision=lax.Precision.HIGHEST,
                                    preferred_element_type=jnp.float32)
        vals = jnp.where(lane <= NM2, (lane * BM2).astype(jnp.float32),
                         jnp.where(lane <= NM2 + E, oinc_lane, float(T)))
        riw = lax.broadcasted_iota(jnp.int32, (W, W), 0)
        ciw = lax.broadcasted_iota(jnp.int32, (W, W), 1)
        eyew = jnp.where(riw == ciw, 1.0, 0.0)
        vals_col = lax.dot_general(eyew, vals, (((1,), (1,)), ((), ())),
                                   precision=lax.Precision.HIGHEST,
                                   preferred_element_type=jnp.float32)
        ltw = jnp.where(vals < vals_col, 1.0, 0.0)
        tiew = jnp.where((vals == vals_col) & (ciw < riw), 1.0, 0.0)
        rank_col = jnp.sum(ltw + tiew, axis=1, keepdims=True)
        permw = jnp.where(ciw == _iround(rank_col), 1.0, 0.0)
        sorted_vals = lax.dot_general(vals, permw, (((1,), (0,)), ((), ())),
                                      precision=lax.Precision.HIGHEST,
                                      preferred_element_type=jnp.float32)
        slo_ref[...] = _iround(sorted_vals)


def _route_prep(x, rw):
    return pl.pallas_call(
        _prep_body,
        grid=(NM,),
        in_specs=[
            pl.BlockSpec((E, H), lambda m: (0, 0)),
            pl.BlockSpec((BM, H), lambda m: (m, 0)),
        ],
        out_specs=[
            pl.BlockSpec((BM, H), lambda m: (m, 0)),
            pl.BlockSpec((NM, BM), lambda m: (0, 0)),
            pl.BlockSpec((NM, BM), lambda m: (0, 0)),
            pl.BlockSpec((1, E), lambda m: (0, 0)),
            pl.BlockSpec((1, E), lambda m: (0, 0)),
            pl.BlockSpec((NM, BM), lambda m: (0, 0)),
            pl.BlockSpec((1, W), lambda m: (0, 0)),
        ],
        out_shape=[
            jax.ShapeDtypeStruct((T, H), jnp.float32),
            jax.ShapeDtypeStruct((NM, BM), jnp.int32),
            jax.ShapeDtypeStruct((NM, BM), jnp.int32),
            jax.ShapeDtypeStruct((1, E), jnp.int32),
            jax.ShapeDtypeStruct((1, E), jnp.int32),
            jax.ShapeDtypeStruct((NM, BM), jnp.int32),
            jax.ShapeDtypeStruct((1, W), jnp.int32),
        ],
        scratch_shapes=[pltpu.VMEM((1, E), jnp.float32)],
        compiler_params=pltpu.CompilerParams(
            dimension_semantics=("arbitrary",)),
    )(rw, x)


W = 64


def _sc_scatter_body(pos_hbm, xs_hbm, xsort_hbm, posv, rows, sem):
    wid = lax.axis_index("s") * 2 + lax.axis_index("c")
    base = wid * CHUNK
    pltpu.sync_copy(pos_hbm.at[pl.ds(base, CHUNK)], posv)
    pltpu.sync_copy(xs_hbm.at[pl.ds(base, CHUNK)], rows)
    pltpu.async_copy(rows, xsort_hbm.at[posv], sem).wait()


def _sc_scatter(pos, xs):
    mesh = plsc.VectorSubcoreMesh(core_axis_name="c", subcore_axis_name="s")
    return pl.kernel(
        _sc_scatter_body,
        out_type=jax.ShapeDtypeStruct((T, H), jnp.float32),
        mesh=mesh,
        scratch_types=[
            pltpu.VMEM((CHUNK,), jnp.int32),
            pltpu.VMEM((CHUNK, H), jnp.float32),
            pltpu.SemaphoreType.DMA,
        ],
    )(pos, xs)


S = NM2 + E


def _step_m(slo, s):
    return jnp.minimum(slo[s] // BM2, NM2 - 1)


def _step_e(slo, oinc, s):
    lo = slo[s]
    e = jnp.int32(0)
    for k in range(E):
        e = e + jnp.where(oinc[k] <= lo, 1, 0)
    return jnp.minimum(e, E - 1)


def _grouped_body(slo_sref, oinc_sref, xs_ref, wg_ref, wu_ref, wd_ref,
                  out_ref):
    s = pl.program_id(0)
    lo = slo_sref[s]
    hi = slo_sref[s + 1]
    m = _step_m(slo_sref, s)
    m_prev = _step_m(slo_sref, jnp.maximum(s - 1, 0))
    init = (s == 0) | (m != m_prev)
    active = hi > lo

    @pl.when(init)
    def _():
        out_ref[...] = jnp.zeros((BM2, H), jnp.float32)

    @pl.when(active)
    def _():
        xb = xs_ref[...]
        g = lax.dot_general(xb, wg_ref[0], (((1,), (1,)), ((), ())),
                            preferred_element_type=jnp.float32)
        u = lax.dot_general(xb, wu_ref[0], (((1,), (1,)), ((), ())),
                            preferred_element_type=jnp.float32)
        rowg = m * BM2 + lax.broadcasted_iota(jnp.int32, (BM2, 1), 0)
        mask = jnp.where((rowg >= lo) & (rowg < hi), 1.0, 0.0)
        p = (g * jax.nn.sigmoid(g)) * u * mask
        contrib = lax.dot_general(p, wd_ref[0], (((1,), (1,)), ((), ())),
                                  preferred_element_type=jnp.float32)
        out_ref[...] = out_ref[...] + contrib


def _grouped(slo, oinc, xs_sorted, w_gate, w_up, w_down):
    grid_spec = pltpu.PrefetchScalarGridSpec(
        num_scalar_prefetch=2,
        grid=(S,),
        in_specs=[
            pl.BlockSpec((BM2, H),
                         lambda s, slo, oinc: (_step_m(slo, s), 0)),
            pl.BlockSpec((1, I, H),
                         lambda s, slo, oinc: (_step_e(slo, oinc, s), 0, 0)),
            pl.BlockSpec((1, I, H),
                         lambda s, slo, oinc: (_step_e(slo, oinc, s), 0, 0)),
            pl.BlockSpec((1, H, I),
                         lambda s, slo, oinc: (_step_e(slo, oinc, s), 0, 0)),
        ],
        out_specs=pl.BlockSpec((BM2, H),
                               lambda s, slo, oinc: (_step_m(slo, s), 0)),
    )
    return pl.pallas_call(
        _grouped_body,
        grid_spec=grid_spec,
        out_shape=jax.ShapeDtypeStruct((T, H), jnp.float32),
        compiler_params=pltpu.CompilerParams(
            dimension_semantics=("arbitrary",)),
    )(slo, oinc, xs_sorted, w_gate, w_up, w_down)


def _shared_body(x_ref, sg_ref, su_ref, sd_ref, routed_ref, out_ref):
    x_blk = x_ref[...]
    g = lax.dot_general(x_blk, sg_ref[...], (((1,), (1,)), ((), ())),
                        preferred_element_type=jnp.float32)
    u = lax.dot_general(x_blk, su_ref[...], (((1,), (1,)), ((), ())),
                        preferred_element_type=jnp.float32)
    p = (g * jax.nn.sigmoid(g)) * u
    out_ref[...] = routed_ref[...] + lax.dot_general(
        p, sd_ref[...], (((1,), (1,)), ((), ())),
        preferred_element_type=jnp.float32)


def _shared(x, sg, su, sd, routed):
    return pl.pallas_call(
        _shared_body,
        grid=(T // 512,),
        in_specs=[
            pl.BlockSpec((512, H), lambda m: (m, 0)),
            pl.BlockSpec((IS, H), lambda m: (0, 0)),
            pl.BlockSpec((IS, H), lambda m: (0, 0)),
            pl.BlockSpec((H, IS), lambda m: (0, 0)),
            pl.BlockSpec((512, H), lambda m: (m, 0)),
        ],
        out_specs=pl.BlockSpec((512, H), lambda m: (m, 0)),
        out_shape=jax.ShapeDtypeStruct((T, H), jnp.float32),
        compiler_params=pltpu.CompilerParams(
            dimension_semantics=("arbitrary",)),
    )(x, sg, su, sd, routed)


def _sc_gather_body(pos_hbm, rsort_hbm, routed_hbm, posv, rows, sem):
    wid = lax.axis_index("s") * 2 + lax.axis_index("c")
    base = wid * CHUNK
    pltpu.sync_copy(pos_hbm.at[pl.ds(base, CHUNK)], posv)
    pltpu.async_copy(rsort_hbm.at[posv], rows, sem).wait()
    pltpu.sync_copy(rows, routed_hbm.at[pl.ds(base, CHUNK)])


def _sc_gather(pos, rsort):
    mesh = plsc.VectorSubcoreMesh(core_axis_name="c", subcore_axis_name="s")
    return pl.kernel(
        _sc_gather_body,
        out_type=jax.ShapeDtypeStruct((T, H), jnp.float32),
        mesh=mesh,
        scratch_types=[
            pltpu.VMEM((CHUNK,), jnp.int32),
            pltpu.VMEM((CHUNK, H), jnp.float32),
            pltpu.SemaphoreType.DMA,
        ],
    )(pos, rsort)


def kernel(hidden_states, router_weight, w_gate, w_up, w_down,
           shared_gate, shared_up, shared_down):
    (xs, eid2d, rank2d, oinc2d, oexc2d, pos2d,
     slo2d) = _route_prep(hidden_states, router_weight)
    oinc = oinc2d.reshape(E)
    pos = pos2d.reshape(T)
    slo = slo2d.reshape(W)

    xsort = _sc_scatter(pos, xs)
    rsort = _grouped(slo, oinc, xsort, w_gate, w_up, w_down)
    routed = _sc_gather(pos, rsort)
    return _shared(hidden_states, shared_gate, shared_up, shared_down,
                   routed)

# --- scband reference (transcript-rebuilt; emitter-appended) ---
"""Pipeline reference for scband-llama4-mo-e-64244120814301 (READ-ONLY COPY).

The authoritative reference and input builder live on the scoring server;
editing this copy changes nothing except your own understanding.
"""

import jax, jax.numpy as jnp
import numpy as np

T = 2048      # tokens = batch(1) * seq_len(2048)
H = 1024      # hidden_size
I = 512       # routed expert intermediate_size
IS = 1024     # shared expert intermediate_size
E = 16        # num_experts
TOPK = 1      # Llama4 top-1 routing


def setup_inputs(seed: int = 0) -> dict:
    key = jax.random.key(seed)
    ks = jax.random.split(key, 8)
    s = 0.02
    return {
        "hidden_states": jax.random.normal(ks[0], (T, H), dtype=jnp.float32),
        "router_weight": jax.random.normal(ks[1], (E, H), dtype=jnp.float32) * s,
        "w_gate": jax.random.normal(ks[2], (E, I, H), dtype=jnp.float32) * s,
        "w_up": jax.random.normal(ks[3], (E, I, H), dtype=jnp.float32) * s,
        "w_down": jax.random.normal(ks[4], (E, H, I), dtype=jnp.float32) * s,
        "shared_gate": jax.random.normal(ks[5], (IS, H), dtype=jnp.float32) * s,
        "shared_up": jax.random.normal(ks[6], (IS, H), dtype=jnp.float32) * s,
        "shared_down": jax.random.normal(ks[7], (H, IS), dtype=jnp.float32) * s,
    }


def reference(hidden_states, router_weight, w_gate, w_up, w_down,
              shared_gate, shared_up, shared_down):
    # ---- shared expert: GatedMLP (SiLU gate) ----
    sg = hidden_states @ shared_gate.T
    su = hidden_states @ shared_up.T
    shared_out = (jax.nn.silu(sg) * su) @ shared_down.T

    # ---- router ----
    router_logits = hidden_states @ router_weight.T  # [T, E]

    # ---- Llama4RenormalizeMoeRoutingMethod: top-k then sigmoid of topk logits ----
    topk_vals, topk_idx = jax.lax.top_k(router_logits, TOPK)  # [T, k]
    topk_weights = jax.nn.sigmoid(topk_vals.astype(jnp.float32))  # [T, k]

    # ---- routed experts; apply_router_weight_on_input=True:
    # scale token input by its routing weight before the expert MLP,
    # then plain sum-combine of expert outputs.
    routed = jnp.zeros_like(hidden_states)
    for e in range(E):
        w_e = jnp.sum(jnp.where(topk_idx == e, topk_weights, 0.0), axis=-1)  # [T]
        xs = hidden_states * w_e[:, None]
        g = xs @ w_gate[e].T
        u = xs @ w_up[e].T
        routed = routed + (jax.nn.silu(g) * u) @ w_down[e].T

    # final_hidden_states = shared_output + routed_output
    return shared_out + routed

if __name__ == "__main__":
    import jax
    _d = setup_inputs()
    print(jax.jit(kernel)(*tuple(_d.values())))

</pallas_src>

<mosaic_0001>
#map = affine_map<(d0, d1) -> (0)>
#map1 = affine_map<(d0, d1) -> (0, 0)>
module attributes {stable_mosaic.version = 14 : i64} {
  func.func @_sc_gather_body(%arg0: i32, %arg1: i32, %arg2: memref<2048xi32, #tpu.memory_space<hbm>>, %arg3: memref<2048x1024xf32, #tpu.memory_space<hbm>>, %arg4: memref<2048x1024xf32, #tpu.memory_space<hbm>>, %arg5: memref<64xi32, #tpu.memory_space<vmem>>, %arg6: memref<64x1024xf32, #tpu.memory_space<vmem>>, %arg7: memref<!tpu.dma_semaphore, #tpu.memory_space<semaphore_mem>>) attributes {dimension_semantics = [#tpu.dimension_semantics<core_parallel>, #tpu.dimension_semantics<subcore_parallel>], iteration_bounds = array<i64: 2, 16>, scalar_prefetch = 0 : i64, scratch_operands = 3 : i64, tpu.core_type = #tpu.core_type<sc_vector_subcore>, window_params = [{transform_indices = #map}, {transform_indices = #map1}, {transform_indices = #map1}]} {
    %mul3A = arith.constant 2 : i32
    %mul3A_0 = arith.muli %arg1, %mul3A : i32
    %add3A = arith.addi %mul3A_0, %arg0 : i32
    %mul3A_1 = arith.constant 64 : i32
    %mul3A_2 = arith.muli %add3A, %mul3A_1 : i32
    "tpu.region"() ({
      %run_scoped3A = tpu.sem_alloc : memref<!tpu.dma_semaphore, #tpu.memory_space<semaphore_mem>>
      %dma_start3A_7 = tpu.memref_slice %arg2[%mul3A_2] : memref<2048xi32, #tpu.memory_space<hbm>> -> memref<64xi32, #tpu.memory_space<hbm>>
      %dma_start3A_8 = tpu.memref_slice %arg2[%mul3A_2] : memref<2048xi32, #tpu.memory_space<hbm>> -> memref<64xi32, #tpu.memory_space<hbm>>
      tpu.enqueue_dma source(%dma_start3A_8 : memref<64xi32, #tpu.memory_space<hbm>>) target(%arg5 : memref<64xi32, #tpu.memory_space<vmem>>) target_semaphore(%run_scoped3A : memref<!tpu.dma_semaphore, #tpu.memory_space<semaphore_mem>>)
      %dma_wait3A_9 = tpu.memref_slice %arg2[%mul3A_2] : memref<2048xi32, #tpu.memory_space<hbm>> -> memref<64xi32, #tpu.memory_space<hbm>>
      %dma_wait3A_10 = tpu.memref_slice %arg2[%mul3A_2] : memref<2048xi32, #tpu.memory_space<hbm>> -> memref<64xi32, #tpu.memory_space<hbm>>
      tpu.wait_dma2 semaphore(%run_scoped3A : memref<!tpu.dma_semaphore, #tpu.memory_space<semaphore_mem>>) src(%dma_wait3A_10 : memref<64xi32, #tpu.memory_space<hbm>>) dst(%arg5 : memref<64xi32, #tpu.memory_space<vmem>>)
      tpu.yield
    }) : () -> ()
    %dma_start3A = arith.constant 0 : i32
    %dma_start3A_3 = arith.constant 0 : i32
    %dma_start3A_4 = tpu.memref_slice %arg3[%dma_start3A, %dma_start3A_3] : memref<2048x1024xf32, #tpu.memory_space<hbm>> -> memref<2048x1024xf32, #tpu.memory_space<hbm>>
    tpu.enqueue_indirect_dma source(%dma_start3A_4 : memref<2048x1024xf32, #tpu.memory_space<hbm>>) target(%arg6 : memref<64x1024xf32, #tpu.memory_space<vmem>>) offsets(%arg5 : memref<64xi32, #tpu.memory_space<vmem>>) semaphore(%arg7 : memref<!tpu.dma_semaphore, #tpu.memory_space<semaphore_mem>>)
    %dma_wait3A = arith.constant 0 : i32
    %dma_wait3A_5 = arith.constant 0 : i32
    %dma_wait3A_6 = tpu.memref_slice %arg3[%dma_wait3A, %dma_wait3A_5] : memref<2048x1024xf32, #tpu.memory_space<hbm>> -> memref<2048x1024xf32, #tpu.memory_space<hbm>>
    tpu.wait_indirect_dma semaphore(%arg7 : memref<!tpu.dma_semaphore, #tpu.memory_space<semaphore_mem>>) src(%dma_wait3A_6 : memref<2048x1024xf32, #tpu.memory_space<hbm>>) dst(%arg6 : memref<64x1024xf32, #tpu.memory_space<vmem>>)
    "tpu.region"() ({
      %run_scoped3A = tpu.sem_alloc : memref<!tpu.dma_semaphore, #tpu.memory_space<semaphore_mem>>
      %dma_start3A_7 = arith.constant 0 : i32
      %dma_start3A_8 = tpu.memref_slice %arg4[%mul3A_2, %dma_start3A_7] : memref<2048x1024xf32, #tpu.memory_space<hbm>> -> memref<64x1024xf32, #tpu.memory_space<hbm>>
      %dma_start3A_9 = arith.constant 0 : i32
      %dma_start3A_10 = tpu.memref_slice %arg4[%mul3A_2, %dma_start3A_9] : memref<2048x1024xf32, #tpu.memory_space<hbm>> -> memref<64x1024xf32, #tpu.memory_space<hbm>>
      tpu.enqueue_dma source(%arg6 : memref<64x1024xf32, #tpu.memory_space<vmem>>) target(%dma_start3A_10 : memref<64x1024xf32, #tpu.memory_space<hbm>>) target_semaphore(%run_scoped3A : memref<!tpu.dma_semaphore, #tpu.memory_space<semaphore_mem>>)
      %dma_wait3A_11 = arith.constant 0 : i32
      %dma_wait3A_12 = tpu.memref_slice %arg4[%mul3A_2, %dma_wait3A_11] : memref<2048x1024xf32, #tpu.memory_space<hbm>> -> memref<64x1024xf32, #tpu.memory_space<hbm>>
      %dma_wait3A_13 = arith.constant 0 : i32
      %dma_wait3A_14 = tpu.memref_slice %arg4[%mul3A_2, %dma_wait3A_13] : memref<2048x1024xf32, #tpu.memory_space<hbm>> -> memref<64x1024xf32, #tpu.memory_space<hbm>>
      tpu.wait_dma2 semaphore(%run_scoped3A : memref<!tpu.dma_semaphore, #tpu.memory_space<semaphore_mem>>) src(%arg6 : memref<64x1024xf32, #tpu.memory_space<vmem>>) dst(%dma_wait3A_14 : memref<64x1024xf32, #tpu.memory_space<hbm>>)
      tpu.yield
    }) : () -> ()
    return
  }
}

#map = affine_map<(d0, d1) -> (0)>
#map1 = affine_map<(d0, d1) -> (0, 0)>
module attributes {stable_mosaic.version = 14 : i64} {
  func.func @_sc_scatter_body(%arg0: i32, %arg1: i32, %arg2: memref<2048xi32, #tpu.memory_space<hbm>>, %arg3: memref<2048x1024xf32, #tpu.memory_space<hbm>>, %arg4: memref<2048x1024xf32, #tpu.memory_space<hbm>>, %arg5: memref<64xi32, #tpu.memory_space<vmem>>, %arg6: memref<64x1024xf32, #tpu.memory_space<vmem>>, %arg7: memref<!tpu.dma_semaphore, #tpu.memory_space<semaphore_mem>>) attributes {dimension_semantics = [#tpu.dimension_semantics<core_parallel>, #tpu.dimension_semantics<subcore_parallel>], iteration_bounds = array<i64: 2, 16>, scalar_prefetch = 0 : i64, scratch_operands = 3 : i64, tpu.core_type = #tpu.core_type<sc_vector_subcore>, window_params = [{transform_indices = #map}, {transform_indices = #map1}, {transform_indices = #map1}]} {
    %mul3A = arith.constant 2 : i32
    %mul3A_0 = arith.muli %arg1, %mul3A : i32
    %add3A = arith.addi %mul3A_0, %arg0 : i32
    %mul3A_1 = arith.constant 64 : i32
    %mul3A_2 = arith.muli %add3A, %mul3A_1 : i32
    "tpu.region"() ({
      %run_scoped3A = tpu.sem_alloc : memref<!tpu.dma_semaphore, #tpu.memory_space<semaphore_mem>>
      %dma_start3A_7 = tpu.memref_slice %arg2[%mul3A_2] : memref<2048xi32, #tpu.memory_space<hbm>> -> memref<64xi32, #tpu.memory_space<hbm>>
      %dma_start3A_8 = tpu.memref_slice %arg2[%mul3A_2] : memref<2048xi32, #tpu.memory_space<hbm>> -> memref<64xi32, #tpu.memory_space<hbm>>
      tpu.enqueue_dma source(%dma_start3A_8 : memref<64xi32, #tpu.memory_space<hbm>>) target(%arg5 : memref<64xi32, #tpu.memory_space<vmem>>) target_semaphore(%run_scoped3A : memref<!tpu.dma_semaphore, #tpu.memory_space<semaphore_mem>>)
      %dma_wait3A_9 = tpu.memref_slice %arg2[%mul3A_2] : memref<2048xi32, #tpu.memory_space<hbm>> -> memref<64xi32, #tpu.memory_space<hbm>>
      %dma_wait3A_10 = tpu.memref_slice %arg2[%mul3A_2] : memref<2048xi32, #tpu.memory_space<hbm>> -> memref<64xi32, #tpu.memory_space<hbm>>
      tpu.wait_dma2 semaphore(%run_scoped3A : memref<!tpu.dma_semaphore, #tpu.memory_space<semaphore_mem>>) src(%dma_wait3A_10 : memref<64xi32, #tpu.memory_space<hbm>>) dst(%arg5 : memref<64xi32, #tpu.memory_space<vmem>>)
      tpu.yield
    }) : () -> ()
    "tpu.region"() ({
      %run_scoped3A = tpu.sem_alloc : memref<!tpu.dma_semaphore, #tpu.memory_space<semaphore_mem>>
      %dma_start3A_7 = arith.constant 0 : i32
      %dma_start3A_8 = tpu.memref_slice %arg3[%mul3A_2, %dma_start3A_7] : memref<2048x1024xf32, #tpu.memory_space<hbm>> -> memref<64x1024xf32, #tpu.memory_space<hbm>>
      %dma_start3A_9 = arith.constant 0 : i32
      %dma_start3A_10 = tpu.memref_slice %arg3[%mul3A_2, %dma_start3A_9] : memref<2048x1024xf32, #tpu.memory_space<hbm>> -> memref<64x1024xf32, #tpu.memory_space<hbm>>
      tpu.enqueue_dma source(%dma_start3A_10 : memref<64x1024xf32, #tpu.memory_space<hbm>>) target(%arg6 : memref<64x1024xf32, #tpu.memory_space<vmem>>) target_semaphore(%run_scoped3A : memref<!tpu.dma_semaphore, #tpu.memory_space<semaphore_mem>>)
      %dma_wait3A_11 = arith.constant 0 : i32
      %dma_wait3A_12 = tpu.memref_slice %arg3[%mul3A_2, %dma_wait3A_11] : memref<2048x1024xf32, #tpu.memory_space<hbm>> -> memref<64x1024xf32, #tpu.memory_space<hbm>>
      %dma_wait3A_13 = arith.constant 0 : i32
      %dma_wait3A_14 = tpu.memref_slice %arg3[%mul3A_2, %dma_wait3A_13] : memref<2048x1024xf32, #tpu.memory_space<hbm>> -> memref<64x1024xf32, #tpu.memory_space<hbm>>
      tpu.wait_dma2 semaphore(%run_scoped3A : memref<!tpu.dma_semaphore, #tpu.memory_space<semaphore_mem>>) src(%dma_wait3A_14 : memref<64x1024xf32, #tpu.memory_space<hbm>>) dst(%arg6 : memref<64x1024xf32, #tpu.memory_space<vmem>>)
      tpu.yield
    }) : () -> ()
    %dma_start3A = arith.constant 0 : i32
    %dma_start3A_3 = arith.constant 0 : i32
    %dma_start3A_4 = tpu.memref_slice %arg4[%dma_start3A, %dma_start3A_3] : memref<2048x1024xf32, #tpu.memory_space<hbm>> -> memref<2048x1024xf32, #tpu.memory_space<hbm>>
    tpu.enqueue_indirect_dma source(%arg6 : memref<64x1024xf32, #tpu.memory_space<vmem>>) target(%dma_start3A_4 : memref<2048x1024xf32, #tpu.memory_space<hbm>>) offsets(%arg5 : memref<64xi32, #tpu.memory_space<vmem>>) semaphore(%arg7 : memref<!tpu.dma_semaphore, #tpu.memory_space<semaphore_mem>>)
    %dma_wait3A = arith.constant 0 : i32
    %dma_wait3A_5 = arith.constant 0 : i32
    %dma_wait3A_6 = tpu.memref_slice %arg4[%dma_wait3A, %dma_wait3A_5] : memref<2048x1024xf32, #tpu.memory_space<hbm>> -> memref<2048x1024xf32, #tpu.memory_space<hbm>>
    tpu.wait_indirect_dma semaphore(%arg7 : memref<!tpu.dma_semaphore, #tpu.memory_space<semaphore_mem>>) src(%arg6 : memref<64x1024xf32, #tpu.memory_space<vmem>>) dst(%dma_wait3A_6 : memref<2048x1024xf32, #tpu.memory_space<hbm>>)
    return
  }
}

module attributes {stable_mosaic.version = 14 : i64} {
  func.func @_shared_body(%arg0: i32, %arg1: memref<512x1024xf32, #tpu.memory_space<vmem>>, %arg2: memref<1024x1024xf32, #tpu.memory_space<vmem>>, %arg3: memref<1024x1024xf32, #tpu.memory_space<vmem>>, %arg4: memref<1024x1024xf32, #tpu.memory_space<vmem>>, %arg5: memref<512x1024xf32, #tpu.memory_space<vmem>>, %arg6: memref<512x1024xf32, #tpu.memory_space<vmem>>) attributes {dimension_semantics = [#tpu.dimension_semantics<arbitrary>], iteration_bounds = array<i64: 4>, scalar_prefetch = 0 : i64, scratch_operands = 0 : i64, tpu.core_type = #tpu.core_type<tc>, window_params = [{transform_indices = @transform_0, window_bounds = array<i64: 512, 1024>}, {pipeline_mode = #tpu.pipeline_mode<synchronous>, transform_indices = @transform_1, window_bounds = array<i64: 1024, 1024>}, {pipeline_mode = #tpu.pipeline_mode<synchronous>, transform_indices = @transform_2, window_bounds = array<i64: 1024, 1024>}, {pipeline_mode = #tpu.pipeline_mode<synchronous>, transform_indices = @transform_3, window_bounds = array<i64: 1024, 1024>}, {transform_indices = @transform_4, window_bounds = array<i64: 512, 1024>}, {transform_indices = @transform_5, window_bounds = array<i64: 512, 1024>}]} {
    %get3A = arith.constant 0 : index
    %get3A_0 = arith.constant 0 : index
    %get3A_1 = vector.load %arg1[%get3A, %get3A_0] : memref<512x1024xf32, #tpu.memory_space<vmem>>, vector<512x1024xf32>
    %get3A_2 = arith.constant 0 : index
    %get3A_3 = arith.constant 0 : index
    %get3A_4 = vector.load %arg2[%get3A_2, %get3A_3] : memref<1024x1024xf32, #tpu.memory_space<vmem>>, vector<1024x1024xf32>
    %dot_general3A = arith.constant dense<0.000000e+00> : vector<512x1024xf32>
    %dot_general3A_5 = tpu.matmul %get3A_1, %get3A_4, %dot_general3A {dimension_numbers = #tpu.dot_dimension_numbers<[1], [1], [0], [0], [0, 0, 1, 0], [], []>, transpose_lhs_hint = false} : vector<512x1024xf32>, vector<1024x1024xf32>, vector<512x1024xf32> -> vector<512x1024xf32>
    %get3A_6 = arith.constant 0 : index
    %get3A_7 = arith.constant 0 : index
    %get3A_8 = vector.load %arg3[%get3A_6, %get3A_7] : memref<1024x1024xf32, #tpu.memory_space<vmem>>, vector<1024x1024xf32>
    %dot_general3A_9 = arith.constant dense<0.000000e+00> : vector<512x1024xf32>
    %dot_general3A_10 = tpu.matmul %get3A_1, %get3A_8, %dot_general3A_9 {dimension_numbers = #tpu.dot_dimension_numbers<[1], [1], [0], [0], [0, 0, 1, 0], [], []>, transpose_lhs_hint = false} : vector<512x1024xf32>, vector<1024x1024xf32>, vector<512x1024xf32> -> vector<512x1024xf32>
    %logistic3A = arith.negf %dot_general3A_5 : vector<512x1024xf32>
    %logistic3A_11 = math.exp %logistic3A : vector<512x1024xf32>
    %logistic3A_12 = arith.constant 1.000000e+00 : f32
    %logistic3A_13 = vector.broadcast %logistic3A_12 : f32 to vector<512x1024xf32>
    %logistic3A_14 = arith.addf %logistic3A_13, %logistic3A_11 : vector<512x1024xf32>
    %logistic3A_15 = arith.divf %logistic3A_13, %logistic3A_14 : vector<512x1024xf32>
    %mul3A = arith.mulf %dot_general3A_5, %logistic3A_15 : vector<512x1024xf32>
    %mul3A_16 = arith.mulf %mul3A, %dot_general3A_10 : vector<512x1024xf32>
    %get3A_17 = arith.constant 0 : index
    %get3A_18 = arith.constant 0 : index
    %get3A_19 = vector.load %arg5[%get3A_17, %get3A_18] : memref<512x1024xf32, #tpu.memory_space<vmem>>, vector<512x1024xf32>
    %get3A_20 = arith.constant 0 : index
    %get3A_21 = arith.constant 0 : index
    %get3A_22 = vector.load %arg4[%get3A_20, %get3A_21] : memref<1024x1024xf32, #tpu.memory_space<vmem>>, vector<1024x1024xf32>
    %dot_general3A_23 = arith.constant dense<0.000000e+00> : vector<512x1024xf32>
    %dot_general3A_24 = tpu.matmul %mul3A_16, %get3A_22, %dot_general3A_23 {dimension_numbers = #tpu.dot_dimension_numbers<[1], [1], [0], [0], [0, 0, 1, 0], [], []>, transpose_lhs_hint = false} : vector<512x1024xf32>, vector<1024x1024xf32>, vector<512x1024xf32> -> vector<512x1024xf32>
    %add3A = arith.addf %get3A_19, %dot_general3A_24 : vector<512x1024xf32>
    %swap3A = arith.constant 0 : index
    %swap3A_25 = arith.constant 0 : index
    %swap3A_26 = vector.load %arg6[%swap3A, %swap3A_25] : memref<512x1024xf32, #tpu.memory_space<vmem>>, vector<512x1024xf32>
    tpu.vector_store %arg6[%swap3A, %swap3A_25], %add3A {strides = array<i32>} : memref<512x1024xf32, #tpu.memory_space<vmem>>, vector<512x1024xf32>,
    return
  }
  func.func @transform_0(%arg0: i32) -> (i32, i32) {
    %c0_i32 = arith.constant 0 : i32
    %c0_i32_0 = arith.constant 0 : i32
    return %arg0, %c0_i32 : i32, i32
  }
  func.func @transform_1(%arg0: i32) -> (i32, i32) {
    %c0_i32 = arith.constant 0 : i32
    %c0_i32_0 = arith.constant 0 : i32
    %c0_i32_1 = arith.constant 0 : i32
    return %c0_i32, %c0_i32_0 : i32, i32
  }
  func.func @transform_2(%arg0: i32) -> (i32, i32) {
    %c0_i32 = arith.constant 0 : i32
    %c0_i32_0 = arith.constant 0 : i32
    %c0_i32_1 = arith.constant 0 : i32
    return %c0_i32, %c0_i32_0 : i32, i32
  }
  func.func @transform_3(%arg0: i32) -> (i32, i32) {
    %c0_i32 = arith.constant 0 : i32
    %c0_i32_0 = arith.constant 0 : i32
    %c0_i32_1 = arith.constant 0 : i32
    return %c0_i32, %c0_i32_0 : i32, i32
  }
  func.func @transform_4(%arg0: i32) -> (i32, i32) {
    %c0_i32 = arith.constant 0 : i32
    %c0_i32_0 = arith.constant 0 : i32
    return %arg0, %c0_i32 : i32, i32
  }
  func.func @transform_5(%arg0: i32) -> (i32, i32) {
    %c0_i32 = arith.constant 0 : i32
    %c0_i32_0 = arith.constant 0 : i32
    return %arg0, %c0_i32 : i32, i32
  }
}

module attributes {stable_mosaic.version = 14 : i64} {
  func.func @_prep_body(%arg0: i32, %arg1: memref<16x1024xf32, #tpu.memory_space<vmem>>, %arg2: memref<256x1024xf32, #tpu.memory_space<vmem>>, %arg3: memref<256x1024xf32, #tpu.memory_space<vmem>>, %arg4: memref<8x256xi32, #tpu.memory_space<vmem>>, %arg5: memref<8x256xi32, #tpu.memory_space<vmem>>, %arg6: memref<1x16xi32, #tpu.memory_space<vmem>>, %arg7: memref<1x16xi32, #tpu.memory_space<vmem>>, %arg8: memref<8x256xi32, #tpu.memory_space<vmem>>, %arg9: memref<1x64xi32, #tpu.memory_space<vmem>>, %arg10: memref<1x16xf32, #tpu.memory_space<vmem>>) attributes {dimension_semantics = [#tpu.dimension_semantics<arbitrary>], iteration_bounds = array<i64: 8>, scalar_prefetch = 0 : i64, scratch_operands = 1 : i64, tpu.core_type = #tpu.core_type<tc>, window_params = [{pipeline_mode = #tpu.pipeline_mode<synchronous>, transform_indices = @transform_0, window_bounds = array<i64: 16, 1024>}, {transform_indices = @transform_1, window_bounds = array<i64: 256, 1024>}, {transform_indices = @transform_2, window_bounds = array<i64: 256, 1024>}, {pipeline_mode = #tpu.pipeline_mode<synchronous>, transform_indices = @transform_3, window_bounds = array<i64: 8, 256>}, {pipeline_mode = #tpu.pipeline_mode<synchronous>, transform_indices = @transform_4, window_bounds = array<i64: 8, 256>}, {pipeline_mode = #tpu.pipeline_mode<synchronous>, transform_indices = @transform_5, window_bounds = array<i64: 1, 16>}, {pipeline_mode = #tpu.pipeline_mode<synchronous>, transform_indices = @transform_6, window_bounds = array<i64: 1, 16>}, {pipeline_mode = #tpu.pipeline_mode<synchronous>, transform_indices = @transform_7, window_bounds = array<i64: 8, 256>}, {pipeline_mode = #tpu.pipeline_mode<synchronous>, transform_indices = @transform_8, window_bounds = array<i64: 1, 64>}]} {
    %get3A = arith.constant 0 : index
    %get3A_0 = arith.constant 0 : index
    %get3A_1 = vector.load %arg2[%get3A, %get3A_0] : memref<256x1024xf32, #tpu.memory_space<vmem>>, vector<256x1024xf32>
    %get3A_2 = arith.constant 0 : index
    %get3A_3 = arith.constant 0 : index
    %get3A_4 = vector.load %arg1[%get3A_2, %get3A_3] : memref<16x1024xf32, #tpu.memory_space<vmem>>, vector<16x1024xf32>
    %dot_general3A = arith.constant dense<0.000000e+00> : vector<256x16xf32>
    %dot_general3A_5 = tpu.matmul %get3A_1, %get3A_4, %dot_general3A {dimension_numbers = #tpu.dot_dimension_numbers<[1], [1], [0], [0], [0, 0, 1, 0], [], []>, transpose_lhs_hint = false} : vector<256x1024xf32>, vector<16x1024xf32>, vector<256x16xf32> -> vector<256x16xf32>
    %reduce_max3A = arith.constant dense<0xFF800000> : vector<256xf32>
    %reduce_max3A_6 = vector.multi_reduction <maximumf>, %dot_general3A_5, %reduce_max3A [1] : vector<256x16xf32> to vector<256xf32>
    %broadcast_in_dim3A = vector.shape_cast %reduce_max3A_6 : vector<256xf32> to vector<256x1xf32>
    %iota3A = tpu.iota {dimensions = array<i32: 1>} : vector<256x16xi32>
    %eq3A = vector.broadcast %broadcast_in_dim3A : vector<256x1xf32> to vector<256x16xf32>
    %eq3A_7 = arith.cmpf oeq, %dot_general3A_5, %eq3A : vector<256x16xf32>
    %jit3A = arith.constant 16 : i32
    %broadcast_in_dim3A_8 = vector.broadcast %jit3A : i32 to vector<256x16xi32>
    %select_n3A = arith.select %eq3A_7, %iota3A, %broadcast_in_dim3A_8 : vector<256x16xi1>, vector<256x16xi32>
    %reduce_min3A = arith.constant dense<2147483647> : vector<256xi32>
    %reduce_min3A_9 = vector.multi_reduction <minsi>, %select_n3A, %reduce_min3A [1] : vector<256x16xi32> to vector<256xi32>
    %broadcast_in_dim3A_10 = vector.shape_cast %reduce_min3A_9 : vector<256xi32> to vector<256x1xi32>
    %logistic3A = arith.negf %broadcast_in_dim3A : vector<256x1xf32>
    %logistic3A_11 = math.exp %logistic3A : vector<256x1xf32>
    %logistic3A_12 = arith.constant 1.000000e+00 : f32
    %logistic3A_13 = vector.broadcast %logistic3A_12 : f32 to vector<256x1xf32>
    %logistic3A_14 = arith.addf %logistic3A_13, %logistic3A_11 : vector<256x1xf32>
    %logistic3A_15 = arith.divf %logistic3A_13, %logistic3A_14 : vector<256x1xf32>
    %mul3A = vector.broadcast %logistic3A_15 : vector<256x1xf32> to vector<256x1024xf32>
    %mul3A_16 = arith.mulf %get3A_1, %mul3A : vector<256x1024xf32>
    %swap3A = arith.constant 0 : index
    %swap3A_17 = arith.constant 0 : index
    %swap3A_18 = vector.load %arg3[%swap3A, %swap3A_17] : memref<256x1024xf32, #tpu.memory_space<vmem>>, vector<256x1024xf32>
    tpu.vector_store %arg3[%swap3A, %swap3A_17], %mul3A_16 {strides = array<i32>} : memref<256x1024xf32, #tpu.memory_space<vmem>>, vector<256x1024xf32>,
    %eq3A_19 = vector.broadcast %broadcast_in_dim3A_10 : vector<256x1xi32> to vector<256x16xi32>
    %eq3A_20 = arith.cmpi eq, %iota3A, %eq3A_19 : vector<256x16xi32>
    %jit3A_21 = arith.constant 1.000000e+00 : f32
    %jit3A_22 = arith.constant 0.000000e+00 : f32
    %broadcast_in_dim3A_23 = vector.broadcast %jit3A_21 : f32 to vector<256x16xf32>
    %broadcast_in_dim3A_24 = vector.broadcast %jit3A_22 : f32 to vector<256x16xf32>
    %select_n3A_25 = arith.select %eq3A_20, %broadcast_in_dim3A_23, %broadcast_in_dim3A_24 : vector<256x16xi1>, vector<256x16xf32>
    %eq3A_26 = arith.constant 0 : i32
    %eq3A_27 = arith.cmpi eq, %arg0, %eq3A_26 : i32
    %convert_element_type3A = arith.extui %eq3A_27 : i1 to i32
    %cond3A = arith.constant 0 : i32
    %cond3A_28 = arith.cmpi ne, %convert_element_type3A, %cond3A : i32
    scf.if %cond3A_28 {
      %broadcast_in_dim3A_85 = arith.constant 0.000000e+00 : f32
      %broadcast_in_dim3A_86 = vector.broadcast %broadcast_in_dim3A_85 : f32 to vector<1x16xf32>
      %swap3A_87 = arith.constant 0 : index
      %swap3A_88 = arith.constant 0 : index
      %swap3A_89 = vector.load %arg10[%swap3A_87, %swap3A_88] : memref<1x16xf32, #tpu.memory_space<vmem>>, vector<1x16xf32>
      tpu.vector_store %arg10[%swap3A_87, %swap3A_88], %broadcast_in_dim3A_86 {strides = array<i32>} : memref<1x16xf32, #tpu.memory_space<vmem>>, vector<1x16xf32>,
    } else {
    }
    %iota3A_29 = tpu.iota {dimensions = array<i32: 0>} : vector<256x256xi32>
    %iota3A_30 = tpu.iota {dimensions = array<i32: 1>} : vector<256x256xi32>
    %lt3A = arith.cmpi slt, %iota3A_30, %iota3A_29 : vector<256x256xi32>
    %jit3A_31 = arith.constant 1.000000e+00 : f32
    %jit3A_32 = arith.constant 0.000000e+00 : f32
    %broadcast_in_dim3A_33 = vector.broadcast %jit3A_31 : f32 to vector<256x256xf32>
    %broadcast_in_dim3A_34 = vector.broadcast %jit3A_32 : f32 to vector<256x256xf32>
    %select_n3A_35 = arith.select %lt3A, %broadcast_in_dim3A_33, %broadcast_in_dim3A_34 : vector<256x256xi1>, vector<256x256xf32>
    %dot_general3A_36 = arith.constant dense<0.000000e+00> : vector<256x16xf32>
    %dot_general3A_37 = tpu.matmul %select_n3A_35, %select_n3A_25, %dot_general3A_36 {dimension_numbers = #tpu.dot_dimension_numbers<[1], [0], [0], [1], [0, 0, 1, 1], [], []>, precision = #tpu.contract_precision<fp32>, transpose_lhs_hint = false} : vector<256x256xf32>, vector<256x16xf32>, vector<256x16xf32> -> vector<256x16xf32>
    %get3A_38 = arith.constant 0 : index
    %get3A_39 = arith.constant 0 : index
    %get3A_40 = vector.load %arg10[%get3A_38, %get3A_39] : memref<1x16xf32, #tpu.memory_space<vmem>>, vector<1x16xf32>
    %add3A = vector.broadcast %get3A_40 : vector<1x16xf32> to vector<256x16xf32>
    %add3A_41 = arith.addf %dot_general3A_37, %add3A : vector<256x16xf32>
    %mul3A_42 = arith.mulf %select_n3A_25, %add3A_41 : vector<256x16xf32>
    %reduce_sum3A = arith.constant dense<0.000000e+00> : vector<256xf32>
    %reduce_sum3A_43 = vector.multi_reduction <add>, %mul3A_42, %reduce_sum3A [1] : vector<256x16xf32> to vector<256xf32>
    %broadcast_in_dim3A_44 = vector.shape_cast %reduce_sum3A_43 : vector<256xf32> to vector<256x1xf32>
    %eq3A_45 = arith.cmpi eq, %iota3A_30, %iota3A_29 : vector<256x256xi32>
    %jit3A_46 = arith.constant 1.000000e+00 : f32
    %jit3A_47 = arith.constant 0.000000e+00 : f32
    %broadcast_in_dim3A_48 = vector.broadcast %jit3A_46 : f32 to vector<256x256xf32>
    %broadcast_in_dim3A_49 = vector.broadcast %jit3A_47 : f32 to vector<256x256xf32>
    %select_n3A_50 = arith.select %eq3A_45, %broadcast_in_dim3A_48, %broadcast_in_dim3A_49 : vector<256x256xi1>, vector<256x256xf32>
    %dot_general3A_51 = arith.constant dense<0.000000e+00> : vector<1x256xf32>
    %dot_general3A_52 = tpu.matmul %broadcast_in_dim3A_44, %select_n3A_50, %dot_general3A_51 {dimension_numbers = #tpu.dot_dimension_numbers<[0], [0], [1], [1], [0, 1, 1, 1], [], []>, precision = #tpu.contract_precision<fp32>, transpose_lhs_hint = false} : vector<256x1xf32>, vector<256x256xf32>, vector<1x256xf32> -> vector<1x256xf32>
    %convert_element_type3A_53 = arith.sitofp %broadcast_in_dim3A_10 : vector<256x1xi32> to vector<256x1xf32>
    %dot_general3A_54 = arith.constant dense<0.000000e+00> : vector<1x256xf32>
    %dot_general3A_55 = tpu.matmul %convert_element_type3A_53, %select_n3A_50, %dot_general3A_54 {dimension_numbers = #tpu.dot_dimension_numbers<[0], [0], [1], [1], [0, 1, 1, 1], [], []>, precision = #tpu.contract_precision<fp32>, transpose_lhs_hint = false} : vector<256x1xf32>, vector<256x256xf32>, vector<1x256xf32> -> vector<1x256xf32>
    %add3A_56 = arith.constant 5.000000e-01 : f32
    %add3A_57 = vector.broadcast %add3A_56 : f32 to vector<1x256xf32>
    %add3A_58 = arith.addf %dot_general3A_52, %add3A_57 : vector<1x256xf32>
    %convert_element_type3A_59 = arith.fptosi %add3A_58 : vector<1x256xf32> to vector<1x256xi32>
    %swap3A_60 = arith.index_cast %arg0 : i32 to index
    %swap3A_61 = arith.constant 0 : index
    %swap3A_62 = vector.load %arg5[%swap3A_60, %swap3A_61] : memref<8x256xi32, #tpu.memory_space<vmem>>, vector<1x256xi32>
    tpu.vector_store %arg5[%swap3A_60, %swap3A_61], %convert_element_type3A_59 {strides = array<i32>} : memref<8x256xi32, #tpu.memory_space<vmem>>, vector<1x256xi32>,
    %add3A_63 = arith.constant 5.000000e-01 : f32
    %add3A_64 = vector.broadcast %add3A_63 : f32 to vector<1x256xf32>
    %add3A_65 = arith.addf %dot_general3A_55, %add3A_64 : vector<1x256xf32>
    %convert_element_type3A_66 = arith.fptosi %add3A_65 : vector<1x256xf32> to vector<1x256xi32>
    %swap3A_67 = arith.index_cast %arg0 : i32 to index
    %swap3A_68 = arith.constant 0 : index
    %swap3A_69 = vector.load %arg4[%swap3A_67, %swap3A_68] : memref<8x256xi32, #tpu.memory_space<vmem>>, vector<1x256xi32>
    tpu.vector_store %arg4[%swap3A_67, %swap3A_68], %convert_element_type3A_66 {strides = array<i32>} : memref<8x256xi32, #tpu.memory_space<vmem>>, vector<1x256xi32>,
    %get3A_70 = arith.constant 0 : index
    %get3A_71 = arith.constant 0 : index
    %get3A_72 = vector.load %arg10[%get3A_70, %get3A_71] : memref<1x16xf32, #tpu.memory_space<vmem>>, vector<1x16xf32>
    %reduce_sum3A_73 = arith.constant dense<0.000000e+00> : vector<16xf32>
    %reduce_sum3A_74 = vector.multi_reduction <add>, %select_n3A_25, %reduce_sum3A_73 [0] : vector<256x16xf32> to vector<16xf32>
    %broadcast_in_dim3A_75 = vector.shape_cast %reduce_sum3A_74 : vector<16xf32> to vector<1x16xf32>
    %add3A_76 = arith.addf %get3A_72, %broadcast_in_dim3A_75 : vector<1x16xf32>
    %swap3A_77 = arith.constant 0 : index
    %swap3A_78 = arith.constant 0 : index
    %swap3A_79 = vector.load %arg10[%swap3A_77, %swap3A_78] : memref<1x16xf32, #tpu.memory_space<vmem>>, vector<1x16xf32>
    tpu.vector_store %arg10[%swap3A_77, %swap3A_78], %add3A_76 {strides = array<i32>} : memref<1x16xf32, #tpu.memory_space<vmem>>, vector<1x16xf32>,
    %eq3A_80 = arith.constant 7 : i32
    %eq3A_81 = arith.cmpi eq, %arg0, %eq3A_80 : i32
    %convert_element_type3A_82 = arith.extui %eq3A_81 : i1 to i32
    %cond3A_83 = arith.constant 0 : i32
    %cond3A_84 = arith.cmpi ne, %convert_element_type3A_82, %cond3A_83 : i32
    scf.if %cond3A_84 {
      %iota3A_85 = tpu.iota {dimensions = array<i32: 0>} : vector<16x16xi32>
      %iota3A_86 = tpu.iota {dimensions = array<i32: 1>} : vector<16x16xi32>
      %le3A = arith.cmpi sle, %iota3A_85, %iota3A_86 : vector<16x16xi32>
      %jit3A_87 = arith.constant 1.000000e+00 : f32
      %jit3A_88 = arith.constant 0.000000e+00 : f32
      %broadcast_in_dim3A_89 = vector.broadcast %jit3A_87 : f32 to vector<16x16xf32>
      %broadcast_in_dim3A_90 = vector.broadcast %jit3A_88 : f32 to vector<16x16xf32>
      %select_n3A_91 = arith.select %le3A, %broadcast_in_dim3A_89, %broadcast_in_dim3A_90 : vector<16x16xi1>, vector<16x16xf32>
      %dot_general3A_92 = arith.constant dense<0.000000e+00> : vector<1x16xf32>
      %dot_general3A_93 = tpu.matmul %add3A_76, %select_n3A_91, %dot_general3A_92 {dimension_numbers = #tpu.dot_dimension_numbers<[1], [0], [0], [1], [0, 0, 1, 1], [], []>, precision = #tpu.contract_precision<fp32>, transpose_lhs_hint = false} : vector<1x16xf32>, vector<16x16xf32>, vector<1x16xf32> -> vector<1x16xf32>
      %add3A_94 = arith.constant 5.000000e-01 : f32
      %add3A_95 = vector.broadcast %add3A_94 : f32 to vector<1x16xf32>
      %add3A_96 = arith.addf %dot_general3A_93, %add3A_95 : vector<1x16xf32>
      %convert_element_type3A_97 = arith.fptosi %add3A_96 : vector<1x16xf32> to vector<1x16xi32>
      %sub3A = arith.subf %dot_general3A_93, %add3A_76 : vector<1x16xf32>
      %add3A_98 = arith.constant 5.000000e-01 : f32
      %add3A_99 = vector.broadcast %add3A_98 : f32 to vector<1x16xf32>
      %add3A_100 = arith.addf %sub3A, %add3A_99 : vector<1x16xf32>
      %convert_element_type3A_101 = arith.fptosi %add3A_100 : vector<1x16xf32> to vector<1x16xi32>
      %swap3A_102 = arith.constant 0 : index
      %swap3A_103 = arith.constant 0 : index
      %swap3A_104 = vector.load %arg6[%swap3A_102, %swap3A_103] : memref<1x16xi32, #tpu.memory_space<vmem>>, vector<1x16xi32>
      tpu.vector_store %arg6[%swap3A_102, %swap3A_103], %convert_element_type3A_97 {strides = array<i32>} : memref<1x16xi32, #tpu.memory_space<vmem>>, vector<1x16xi32>,
      %swap3A_105 = arith.constant 0 : index
      %swap3A_106 = arith.constant 0 : index
      %swap3A_107 = vector.load %arg7[%swap3A_105, %swap3A_106] : memref<1x16xi32, #tpu.memory_space<vmem>>, vector<1x16xi32>
      tpu.vector_store %arg7[%swap3A_105, %swap3A_106], %convert_element_type3A_101 {strides = array<i32>} : memref<1x16xi32, #tpu.memory_space<vmem>>, vector<1x16xi32>,
      %iota3A_108 = tpu.iota {dimensions = array<i32: 1>} : vector<1x16xi32>
      %convert_element_type3A_109 = arith.sitofp %convert_element_type3A_101 : vector<1x16xi32> to vector<1x16xf32>
      %get3A_110 = arith.constant 0 : index
      %get3A_111 = arith.constant 0 : index
      %get3A_112 = vector.load %arg4[%get3A_110, %get3A_111] : memref<8x256xi32, #tpu.memory_space<vmem>>, vector<8x256xi32>
      %get3A_113 = arith.constant 0 : index
      %get3A_114 = arith.constant 0 : index
      %get3A_115 = vector.load %arg5[%get3A_113, %get3A_114] : memref<8x256xi32, #tpu.memory_space<vmem>>, vector<8x256xi32>
      %eq3A_116 = arith.constant 0 : i32
      %eq3A_117 = vector.broadcast %eq3A_116 : i32 to vector<1x16xi32>
      %eq3A_118 = arith.cmpi eq, %iota3A_108, %eq3A_117 : vector<1x16xi32>
      %jit3A_119 = arith.constant 0.000000e+00 : f32
      %broadcast_in_dim3A_120 = vector.broadcast %jit3A_119 : f32 to vector<1x16xf32>
      %select_n3A_121 = arith.select %eq3A_118, %convert_element_type3A_109, %broadcast_in_dim3A_120 : vector<1x16xi1>, vector<1x16xf32>
      %reduce_sum3A_122 = vector.shape_cast %select_n3A_121 : vector<1x16xf32> to vector<1x1x16xf32>
      %reduce_sum3A_123 = arith.constant dense<0.000000e+00> : vector<1xf32>
      %reduce_sum3A_124 = vector.multi_reduction <add>, %reduce_sum3A_122, %reduce_sum3A_123 [1, 2] : vector<1x1x16xf32> to vector<1xf32>
      %reduce_sum3A_125 = vector.shape_cast %reduce_sum3A_124 : vector<1xf32> to vector<1x1x1xf32>
      %reduce_sum3A_126 = vector.extract %reduce_sum3A_125[0, 0, 0] : f32 from vector<1x1x1xf32>
      %add3A_127 = arith.constant 5.000000e-01 : f32
      %add3A_128 = arith.addf %reduce_sum3A_126, %add3A_127 : f32
      %convert_element_type3A_129 = arith.fptosi %add3A_128 : f32 to i32
      %eq3A_130 = arith.constant 0 : i32
      %eq3A_131 = vector.broadcast %eq3A_130 : i32 to vector<8x256xi32>
      %eq3A_132 = arith.cmpi eq, %get3A_112, %eq3A_131 : vector<8x256xi32>
      %add3A_133 = vector.broadcast %convert_element_type3A_129 : i32 to vector<8x256xi32>
      %add3A_134 = arith.addi %get3A_115, %add3A_133 : vector<8x256xi32>
      %select_n3A_135 = arith.select %eq3A_132, %add3A_134, %get3A_115 : vector<8x256xi1>, vector<8x256xi32>
      %eq3A_136 = arith.constant 1 : i32
      %eq3A_137 = vector.broadcast %eq3A_136 : i32 to vector<1x16xi32>
      %eq3A_138 = arith.cmpi eq, %iota3A_108, %eq3A_137 : vector<1x16xi32>
      %jit3A_139 = arith.constant 0.000000e+00 : f32
      %broadcast_in_dim3A_140 = vector.broadcast %jit3A_139 : f32 to vector<1x16xf32>
      %select_n3A_141 = arith.select %eq3A_138, %convert_element_type3A_109, %broadcast_in_dim3A_140 : vector<1x16xi1>, vector<1x16xf32>
      %reduce_sum3A_142 = vector.shape_cast %select_n3A_141 : vector<1x16xf32> to vector<1x1x16xf32>
      %reduce_sum3A_143 = arith.constant dense<0.000000e+00> : vector<1xf32>
      %reduce_sum3A_144 = vector.multi_reduction <add>, %reduce_sum3A_142, %reduce_sum3A_143 [1, 2] : vector<1x1x16xf32> to vector<1xf32>
      %reduce_sum3A_145 = vector.shape_cast %reduce_sum3A_144 : vector<1xf32> to vector<1x1x1xf32>
      %reduce_sum3A_146 = vector.extract %reduce_sum3A_145[0, 0, 0] : f32 from vector<1x1x1xf32>
      %add3A_147 = arith.constant 5.000000e-01 : f32
      %add3A_148 = arith.addf %reduce_sum3A_146, %add3A_147 : f32
      %convert_element_type3A_149 = arith.fptosi %add3A_148 : f32 to i32
      %eq3A_150 = arith.constant 1 : i32
      %eq3A_151 = vector.broadcast %eq3A_150 : i32 to vector<8x256xi32>
      %eq3A_152 = arith.cmpi eq, %get3A_112, %eq3A_151 : vector<8x256xi32>
      %add3A_153 = vector.broadcast %convert_element_type3A_149 : i32 to vector<8x256xi32>
      %add3A_154 = arith.addi %select_n3A_135, %add3A_153 : vector<8x256xi32>
      %select_n3A_155 = arith.select %eq3A_152, %add3A_154, %select_n3A_135 : vector<8x256xi1>, vector<8x256xi32>
      %eq3A_156 = arith.constant 2 : i32
      %eq3A_157 = vector.broadcast %eq3A_156 : i32 to vector<1x16xi32>
      %eq3A_158 = arith.cmpi eq, %iota3A_108, %eq3A_157 : vector<1x16xi32>
      %jit3A_159 = arith.constant 0.000000e+00 : f32
      %broadcast_in_dim3A_160 = vector.broadcast %jit3A_159 : f32 to vector<1x16xf32>
      %select_n3A_161 = arith.select %eq3A_158, %convert_element_type3A_109, %broadcast_in_dim3A_160 : vector<1x16xi1>, vector<1x16xf32>
      %reduce_sum3A_162 = vector.shape_cast %select_n3A_161 : vector<1x16xf32> to vector<1x1x16xf32>
      %reduce_sum3A_163 = arith.constant dense<0.000000e+00> : vector<1xf32>
      %reduce_sum3A_164 = vector.multi_reduction <add>, %reduce_sum3A_162, %reduce_sum3A_163 [1, 2] : vector<1x1x16xf32> to vector<1xf32>
      %reduce_sum3A_165 = vector.shape_cast %reduce_sum3A_164 : vector<1xf32> to vector<1x1x1xf32>
      %reduce_sum3A_166 = vector.extract %reduce_sum3A_165[0, 0, 0] : f32 from vector<1x1x1xf32>
      %add3A_167 = arith.constant 5.000000e-01 : f32
      %add3A_168 = arith.addf %reduce_sum3A_166, %add3A_167 : f32
      %convert_element_type3A_169 = arith.fptosi %add3A_168 : f32 to i32
      %eq3A_170 = arith.constant 2 : i32
      %eq3A_171 = vector.broadcast %eq3A_170 : i32 to vector<8x256xi32>
      %eq3A_172 = arith.cmpi eq, %get3A_112, %eq3A_171 : vector<8x256xi32>
      %add3A_173 = vector.broadcast %convert_element_type3A_169 : i32 to vector<8x256xi32>
      %add3A_174 = arith.addi %select_n3A_155, %add3A_173 : vector<8x256xi32>
      %select_n3A_175 = arith.select %eq3A_172, %add3A_174, %select_n3A_155 : vector<8x256xi1>, vector<8x256xi32>
      %eq3A_176 = arith.constant 3 : i32
      %eq3A_177 = vector.broadcast %eq3A_176 : i32 to vector<1x16xi32>
      %eq3A_178 = arith.cmpi eq, %iota3A_108, %eq3A_177 : vector<1x16xi32>
      %jit3A_179 = arith.constant 0.000000e+00 : f32
      %broadcast_in_dim3A_180 = vector.broadcast %jit3A_179 : f32 to vector<1x16xf32>
      %select_n3A_181 = arith.select %eq3A_178, %convert_element_type3A_109, %broadcast_in_dim3A_180 : vector<1x16xi1>, vector<1x16xf32>
      %reduce_sum3A_182 = vector.shape_cast %select_n3A_181 : vector<1x16xf32> to vector<1x1x16xf32>
      %reduce_sum3A_183 = arith.constant dense<0.000000e+00> : vector<1xf32>
      %reduce_sum3A_184 = vector.multi_reduction <add>, %reduce_sum3A_182, %reduce_sum3A_183 [1, 2] : vector<1x1x16xf32> to vector<1xf32>
      %reduce_sum3A_185 = vector.shape_cast %reduce_sum3A_184 : vector<1xf32> to vector<1x1x1xf32>
      %reduce_sum3A_186 = vector.extract %reduce_sum3A_185[0, 0, 0] : f32 from vector<1x1x1xf32>
      %add3A_187 = arith.constant 5.000000e-01 : f32
      %add3A_188 = arith.addf %reduce_sum3A_186, %add3A_187 : f32
      %convert_element_type3A_189 = arith.fptosi %add3A_188 : f32 to i32
      %eq3A_190 = arith.constant 3 : i32
      %eq3A_191 = vector.broadcast %eq3A_190 : i32 to vector<8x256xi32>
      %eq3A_192 = arith.cmpi eq, %get3A_112, %eq3A_191 : vector<8x256xi32>
      %add3A_193 = vector.broadcast %convert_element_type3A_189 : i32 to vector<8x256xi32>
      %add3A_194 = arith.addi %select_n3A_175, %add3A_193 : vector<8x256xi32>
      %select_n3A_195 = arith.select %eq3A_192, %add3A_194, %select_n3A_175 : vector<8x256xi1>, vector<8x256xi32>
      %eq3A_196 = arith.constant 4 : i32
      %eq3A_197 = vector.broadcast %eq3A_196 : i32 to vector<1x16xi32>
      %eq3A_198 = arith.cmpi eq, %iota3A_108, %eq3A_197 : vector<1x16xi32>
      %jit3A_199 = arith.constant 0.000000e+00 : f32
      %broadcast_in_dim3A_200 = vector.broadcast %jit3A_199 : f32 to vector<1x16xf32>
      %select_n3A_201 = arith.select %eq3A_198, %convert_element_type3A_109, %broadcast_in_dim3A_200 : vector<1x16xi1>, vector<1x16xf32>
      %reduce_sum3A_202 = vector.shape_cast %select_n3A_201 : vector<1x16xf32> to vector<1x1x16xf32>
      %reduce_sum3A_203 = arith.constant dense<0.000000e+00> : vector<1xf32>
      %reduce_sum3A_204 = vector.multi_reduction <add>, %reduce_sum3A_202, %reduce_sum3A_203 [1, 2] : vector<1x1x16xf32> to vector<1xf32>
      %reduce_sum3A_205 = vector.shape_cast %reduce_sum3A_204 : vector<1xf32> to vector<1x1x1xf32>
      %reduce_sum3A_206 = vector.extract %reduce_sum3A_205[0, 0, 0] : f32 from vector<1x1x1xf32>
      %add3A_207 = arith.constant 5.000000e-01 : f32
      %add3A_208 = arith.addf %reduce_sum3A_206, %add3A_207 : f32
      %convert_element_type3A_209 = arith.fptosi %add3A_208 : f32 to i32
      %eq3A_210 = arith.constant 4 : i32
      %eq3A_211 = vector.broadcast %eq3A_210 : i32 to vector<8x256xi32>
      %eq3A_212 = arith.cmpi eq, %get3A_112, %eq3A_211 : vector<8x256xi32>
      %add3A_213 = vector.broadcast %convert_element_type3A_209 : i32 to vector<8x256xi32>
      %add3A_214 = arith.addi %select_n3A_195, %add3A_213 : vector<8x256xi32>
      %select_n3A_215 = arith.select %eq3A_212, %add3A_214, %select_n3A_195 : vector<8x256xi1>, vector<8x256xi32>
      %eq3A_216 = arith.constant 5 : i32
      %eq3A_217 = vector.broadcast %eq3A_216 : i32 to vector<1x16xi32>
      %eq3A_218 = arith.cmpi eq, %iota3A_108, %eq3A_217 : vector<1x16xi32>
      %jit3A_219 = arith.constant 0.000000e+00 : f32
      %broadcast_in_dim3A_220 = vector.broadcast %jit3A_219 : f32 to vector<1x16xf32>
      %select_n3A_221 = arith.select %eq3A_218, %convert_element_type3A_109, %broadcast_in_dim3A_220 : vector<1x16xi1>, vector<1x16xf32>
      %reduce_sum3A_222 = vector.shape_cast %select_n3A_221 : vector<1x16xf32> to vector<1x1x16xf32>
      %reduce_sum3A_223 = arith.constant dense<0.000000e+00> : vector<1xf32>
      %reduce_sum3A_224 = vector.multi_reduction <add>, %reduce_sum3A_222, %reduce_sum3A_223 [1, 2] : vector<1x1x16xf32> to vector<1xf32>
      %reduce_sum3A_225 = vector.shape_cast %reduce_sum3A_224 : vector<1xf32> to vector<1x1x1xf32>
      %reduce_sum3A_226 = vector.extract %reduce_sum3A_225[0, 0, 0] : f32 from vector<1x1x1xf32>
      %add3A_227 = arith.constant 5.000000e-01 : f32
      %add3A_228 = arith.addf %reduce_sum3A_226, %add3A_227 : f32
      %convert_element_type3A_229 = arith.fptosi %add3A_228 : f32 to i32
      %eq3A_230 = arith.constant 5 : i32
      %eq3A_231 = vector.broadcast %eq3A_230 : i32 to vector<8x256xi32>
      %eq3A_232 = arith.cmpi eq, %get3A_112, %eq3A_231 : vector<8x256xi32>
      %add3A_233 = vector.broadcast %convert_element_type3A_229 : i32 to vector<8x256xi32>
      %add3A_234 = arith.addi %select_n3A_215, %add3A_233 : vector<8x256xi32>
      %select_n3A_235 = arith.select %eq3A_232, %add3A_234, %select_n3A_215 : vector<8x256xi1>, vector<8x256xi32>
      %eq3A_236 = arith.constant 6 : i32
      %eq3A_237 = vector.broadcast %eq3A_236 : i32 to vector<1x16xi32>
      %eq3A_238 = arith.cmpi eq, %iota3A_108, %eq3A_237 : vector<1x16xi32>
      %jit3A_239 = arith.constant 0.000000e+00 : f32
      %broadcast_in_dim3A_240 = vector.broadcast %jit3A_239 : f32 to vector<1x16xf32>
      %select_n3A_241 = arith.select %eq3A_238, %convert_element_type3A_109, %broadcast_in_dim3A_240 : vector<1x16xi1>, vector<1x16xf32>
      %reduce_sum3A_242 = vector.shape_cast %select_n3A_241 : vector<1x16xf32> to vector<1x1x16xf32>
      %reduce_sum3A_243 = arith.constant dense<0.000000e+00> : vector<1xf32>
      %reduce_sum3A_244 = vector.multi_reduction <add>, %reduce_sum3A_242, %reduce_sum3A_243 [1, 2] : vector<1x1x16xf32> to vector<1xf32>
      %reduce_sum3A_245 = vector.shape_cast %reduce_sum3A_244 : vector<1xf32> to vector<1x1x1xf32>
      %reduce_sum3A_246 = vector.extract %reduce_sum3A_245[0, 0, 0] : f32 from vector<1x1x1xf32>
      %add3A_247 = arith.constant 5.000000e-01 : f32
      %add3A_248 = arith.addf %reduce_sum3A_246, %add3A_247 : f32
      %convert_element_type3A_249 = arith.fptosi %add3A_248 : f32 to i32
      %eq3A_250 = arith.constant 6 : i32
      %eq3A_251 = vector.broadcast %eq3A_250 : i32 to vector<8x256xi32>
      %eq3A_252 = arith.cmpi eq, %get3A_112, %eq3A_251 : vector<8x256xi32>
      %add3A_253 = vector.broadcast %convert_element_type3A_249 : i32 to vector<8x256xi32>
      %add3A_254 = arith.addi %select_n3A_235, %add3A_253 : vector<8x256xi32>
      %select_n3A_255 = arith.select %eq3A_252, %add3A_254, %select_n3A_235 : vector<8x256xi1>, vector<8x256xi32>
      %eq3A_256 = arith.constant 7 : i32
      %eq3A_257 = vector.broadcast %eq3A_256 : i32 to vector<1x16xi32>
      %eq3A_258 = arith.cmpi eq, %iota3A_108, %eq3A_257 : vector<1x16xi32>
      %jit3A_259 = arith.constant 0.000000e+00 : f32
      %broadcast_in_dim3A_260 = vector.broadcast %jit3A_259 : f32 to vector<1x16xf32>
      %select_n3A_261 = arith.select %eq3A_258, %convert_element_type3A_109, %broadcast_in_dim3A_260 : vector<1x16xi1>, vector<1x16xf32>
      %reduce_sum3A_262 = vector.shape_cast %select_n3A_261 : vector<1x16xf32> to vector<1x1x16xf32>
      %reduce_sum3A_263 = arith.constant dense<0.000000e+00> : vector<1xf32>
      %reduce_sum3A_264 = vector.multi_reduction <add>, %reduce_sum3A_262, %reduce_sum3A_263 [1, 2] : vector<1x1x16xf32> to vector<1xf32>
      %reduce_sum3A_265 = vector.shape_cast %reduce_sum3A_264 : vector<1xf32> to vector<1x1x1xf32>
      %reduce_sum3A_266 = vector.extract %reduce_sum3A_265[0, 0, 0] : f32 from vector<1x1x1xf32>
      %add3A_267 = arith.constant 5.000000e-01 : f32
      %add3A_268 = arith.addf %reduce_sum3A_266, %add3A_267 : f32
      %convert_element_type3A_269 = arith.fptosi %add3A_268 : f32 to i32
      %eq3A_270 = arith.constant 7 : i32
      %eq3A_271 = vector.broadcast %eq3A_270 : i32 to vector<8x256xi32>
      %eq3A_272 = arith.cmpi eq, %get3A_112, %eq3A_271 : vector<8x256xi32>
      %add3A_273 = vector.broadcast %convert_element_type3A_269 : i32 to vector<8x256xi32>
      %add3A_274 = arith.addi %select_n3A_255, %add3A_273 : vector<8x256xi32>
      %select_n3A_275 = arith.select %eq3A_272, %add3A_274, %select_n3A_255 : vector<8x256xi1>, vector<8x256xi32>
      %eq3A_276 = arith.constant 8 : i32
      %eq3A_277 = vector.broadcast %eq3A_276 : i32 to vector<1x16xi32>
      %eq3A_278 = arith.cmpi eq, %iota3A_108, %eq3A_277 : vector<1x16xi32>
      %jit3A_279 = arith.constant 0.000000e+00 : f32
      %broadcast_in_dim3A_280 = vector.broadcast %jit3A_279 : f32 to vector<1x16xf32>
      %select_n3A_281 = arith.select %eq3A_278, %convert_element_type3A_109, %broadcast_in_dim3A_280 : vector<1x16xi1>, vector<1x16xf32>
      %reduce_sum3A_282 = vector.shape_cast %select_n3A_281 : vector<1x16xf32> to vector<1x1x16xf32>
      %reduce_sum3A_283 = arith.constant dense<0.000000e+00> : vector<1xf32>
      %reduce_sum3A_284 = vector.multi_reduction <add>, %reduce_sum3A_282, %reduce_sum3A_283 [1, 2] : vector<1x1x16xf32> to vector<1xf32>
      %reduce_sum3A_285 = vector.shape_cast %reduce_sum3A_284 : vector<1xf32> to vector<1x1x1xf32>
      %reduce_sum3A_286 = vector.extract %reduce_sum3A_285[0, 0, 0] : f32 from vector<1x1x1xf32>
      %add3A_287 = arith.constant 5.000000e-01 : f32
      %add3A_288 = arith.addf %reduce_sum3A_286, %add3A_287 : f32
      %convert_element_type3A_289 = arith.fptosi %add3A_288 : f32 to i32
      %eq3A_290 = arith.constant 8 : i32
      %eq3A_291 = vector.broadcast %eq3A_290 : i32 to vector<8x256xi32>
      %eq3A_292 = arith.cmpi eq, %get3A_112, %eq3A_291 : vector<8x256xi32>
      %add3A_293 = vector.broadcast %convert_element_type3A_289 : i32 to vector<8x256xi32>
      %add3A_294 = arith.addi %select_n3A_275, %add3A_293 : vector<8x256xi32>
      %select_n3A_295 = arith.select %eq3A_292, %add3A_294, %select_n3A_275 : vector<8x256xi1>, vector<8x256xi32>
      %eq3A_296 = arith.constant 9 : i32
      %eq3A_297 = vector.broadcast %eq3A_296 : i32 to vector<1x16xi32>
      %eq3A_298 = arith.cmpi eq, %iota3A_108, %eq3A_297 : vector<1x16xi32>
      %jit3A_299 = arith.constant 0.000000e+00 : f32
      %broadcast_in_dim3A_300 = vector.broadcast %jit3A_299 : f32 to vector<1x16xf32>
      %select_n3A_301 = arith.select %eq3A_298, %convert_element_type3A_109, %broadcast_in_dim3A_300 : vector<1x16xi1>, vector<1x16xf32>
      %reduce_sum3A_302 = vector.shape_cast %select_n3A_301 : vector<1x16xf32> to vector<1x1x16xf32>
      %reduce_sum3A_303 = arith.constant dense<0.000000e+00> : vector<1xf32>
      %reduce_sum3A_304 = vector.multi_reduction <add>, %reduce_sum3A_302, %reduce_sum3A_303 [1, 2] : vector<1x1x16xf32> to vector<1xf32>
      %reduce_sum3A_305 = vector.shape_cast %reduce_sum3A_304 : vector<1xf32> to vector<1x1x1xf32>
      %reduce_sum3A_306 = vector.extract %reduce_sum3A_305[0, 0, 0] : f32 from vector<1x1x1xf32>
      %add3A_307 = arith.constant 5.000000e-01 : f32
      %add3A_308 = arith.addf %reduce_sum3A_306, %add3A_307 : f32
      %convert_element_type3A_309 = arith.fptosi %add3A_308 : f32 to i32
      %eq3A_310 = arith.constant 9 : i32
      %eq3A_311 = vector.broadcast %eq3A_310 : i32 to vector<8x256xi32>
      %eq3A_312 = arith.cmpi eq, %get3A_112, %eq3A_311 : vector<8x256xi32>
      %add3A_313 = vector.broadcast %convert_element_type3A_309 : i32 to vector<8x256xi32>
      %add3A_314 = arith.addi %select_n3A_295, %add3A_313 : vector<8x256xi32>
      %select_n3A_315 = arith.select %eq3A_312, %add3A_314, %select_n3A_295 : vector<8x256xi1>, vector<8x256xi32>
      %eq3A_316 = arith.constant 10 : i32
      %eq3A_317 = vector.broadcast %eq3A_316 : i32 to vector<1x16xi32>
      %eq3A_318 = arith.cmpi eq, %iota3A_108, %eq3A_317 : vector<1x16xi32>
      %jit3A_319 = arith.constant 0.000000e+00 : f32
      %broadcast_in_dim3A_320 = vector.broadcast %jit3A_319 : f32 to vector<1x16xf32>
      %select_n3A_321 = arith.select %eq3A_318, %convert_element_type3A_109, %broadcast_in_dim3A_320 : vector<1x16xi1>, vector<1x16xf32>
      %reduce_sum3A_322 = vector.shape_cast %select_n3A_321 : vector<1x16xf32> to vector<1x1x16xf32>
      %reduce_sum3A_323 = arith.constant dense<0.000000e+00> : vector<1xf32>
      %reduce_sum3A_324 = vector.multi_reduction <add>, %reduce_sum3A_322, %reduce_sum3A_323 [1, 2] : vector<1x1x16xf32> to vector<1xf32>
      %reduce_sum3A_325 = vector.shape_cast %reduce_sum3A_324 : vector<1xf32> to vector<1x1x1xf32>
      %reduce_sum3A_326 = vector.extract %reduce_sum3A_325[0, 0, 0] : f32 from vector<1x1x1xf32>
      %add3A_327 = arith.constant 5.000000e-01 : f32
      %add3A_328 = arith.addf %reduce_sum3A_326, %add3A_327 : f32
      %convert_element_type3A_329 = arith.fptosi %add3A_328 : f32 to i32
      %eq3A_330 = arith.constant 10 : i32
      %eq3A_331 = vector.broadcast %eq3A_330 : i32 to vector<8x256xi32>
      %eq3A_332 = arith.cmpi eq, %get3A_112, %eq3A_331 : vector<8x256xi32>
      %add3A_333 = vector.broadcast %convert_element_type3A_329 : i32 to vector<8x256xi32>
      %add3A_334 = arith.addi %select_n3A_315, %add3A_333 : vector<8x256xi32>
      %select_n3A_335 = arith.select %eq3A_332, %add3A_334, %select_n3A_315 : vector<8x256xi1>, vector<8x256xi32>
      %eq3A_336 = arith.constant 11 : i32
      %eq3A_337 = vector.broadcast %eq3A_336 : i32 to vector<1x16xi32>
      %eq3A_338 = arith.cmpi eq, %iota3A_108, %eq3A_337 : vector<1x16xi32>
      %jit3A_339 = arith.constant 0.000000e+00 : f32
      %broadcast_in_dim3A_340 = vector.broadcast %jit3A_339 : f32 to vector<1x16xf32>
      %select_n3A_341 = arith.select %eq3A_338, %convert_element_type3A_109, %broadcast_in_dim3A_340 : vector<1x16xi1>, vector<1x16xf32>
      %reduce_sum3A_342 = vector.shape_cast %select_n3A_341 : vector<1x16xf32> to vector<1x1x16xf32>
      %reduce_sum3A_343 = arith.constant dense<0.000000e+00> : vector<1xf32>
      %reduce_sum3A_344 = vector.multi_reduction <add>, %reduce_sum3A_342, %reduce_sum3A_343 [1, 2] : vector<1x1x16xf32> to vector<1xf32>
      %reduce_sum3A_345 = vector.shape_cast %reduce_sum3A_344 : vector<1xf32> to vector<1x1x1xf32>
      %reduce_sum3A_346 = vector.extract %reduce_sum3A_345[0, 0, 0] : f32 from vector<1x1x1xf32>
      %add3A_347 = arith.constant 5.000000e-01 : f32
      %add3A_348 = arith.addf %reduce_sum3A_346, %add3A_347 : f32
      %convert_element_type3A_349 = arith.fptosi %add3A_348 : f32 to i32
      %eq3A_350 = arith.constant 11 : i32
      %eq3A_351 = vector.broadcast %eq3A_350 : i32 to vector<8x256xi32>
      %eq3A_352 = arith.cmpi eq, %get3A_112, %eq3A_351 : vector<8x256xi32>
      %add3A_353 = vector.broadcast %convert_element_type3A_349 : i32 to vector<8x256xi32>
      %add3A_354 = arith.addi %select_n3A_335, %add3A_353 : vector<8x256xi32>
      %select_n3A_355 = arith.select %eq3A_352, %add3A_354, %select_n3A_335 : vector<8x256xi1>, vector<8x256xi32>
      %eq3A_356 = arith.constant 12 : i32
      %eq3A_357 = vector.broadcast %eq3A_356 : i32 to vector<1x16xi32>
      %eq3A_358 = arith.cmpi eq, %iota3A_108, %eq3A_357 : vector<1x16xi32>
      %jit3A_359 = arith.constant 0.000000e+00 : f32
      %broadcast_in_dim3A_360 = vector.broadcast %jit3A_359 : f32 to vector<1x16xf32>
      %select_n3A_361 = arith.select %eq3A_358, %convert_element_type3A_109, %broadcast_in_dim3A_360 : vector<1x16xi1>, vector<1x16xf32>
      %reduce_sum3A_362 = vector.shape_cast %select_n3A_361 : vector<1x16xf32> to vector<1x1x16xf32>
      %reduce_sum3A_363 = arith.constant dense<0.000000e+00> : vector<1xf32>
      %reduce_sum3A_364 = vector.multi_reduction <add>, %reduce_sum3A_362, %reduce_sum3A_363 [1, 2] : vector<1x1x16xf32> to vector<1xf32>
      %reduce_sum3A_365 = vector.shape_cast %reduce_sum3A_364 : vector<1xf32> to vector<1x1x1xf32>
      %reduce_sum3A_366 = vector.extract %reduce_sum3A_365[0, 0, 0] : f32 from vector<1x1x1xf32>
      %add3A_367 = arith.constant 5.000000e-01 : f32
      %add3A_368 = arith.addf %reduce_sum3A_366, %add3A_367 : f32
      %convert_element_type3A_369 = arith.fptosi %add3A_368 : f32 to i32
      %eq3A_370 = arith.constant 12 : i32
      %eq3A_371 = vector.broadcast %eq3A_370 : i32 to vector<8x256xi32>
      %eq3A_372 = arith.cmpi eq, %get3A_112, %eq3A_371 : vector<8x256xi32>
      %add3A_373 = vector.broadcast %convert_element_type3A_369 : i32 to vector<8x256xi32>
      %add3A_374 = arith.addi %select_n3A_355, %add3A_373 : vector<8x256xi32>
      %select_n3A_375 = arith.select %eq3A_372, %add3A_374, %select_n3A_355 : vector<8x256xi1>, vector<8x256xi32>
      %eq3A_376 = arith.constant 13 : i32
      %eq3A_377 = vector.broadcast %eq3A_376 : i32 to vector<1x16xi32>
      %eq3A_378 = arith.cmpi eq, %iota3A_108, %eq3A_377 : vector<1x16xi32>
      %jit3A_379 = arith.constant 0.000000e+00 : f32
      %broadcast_in_dim3A_380 = vector.broadcast %jit3A_379 : f32 to vector<1x16xf32>
      %select_n3A_381 = arith.select %eq3A_378, %convert_element_type3A_109, %broadcast_in_dim3A_380 : vector<1x16xi1>, vector<1x16xf32>
      %reduce_sum3A_382 = vector.shape_cast %select_n3A_381 : vector<1x16xf32> to vector<1x1x16xf32>
      %reduce_sum3A_383 = arith.constant dense<0.000000e+00> : vector<1xf32>
      %reduce_sum3A_384 = vector.multi_reduction <add>, %reduce_sum3A_382, %reduce_sum3A_383 [1, 2] : vector<1x1x16xf32> to vector<1xf32>
      %reduce_sum3A_385 = vector.shape_cast %reduce_sum3A_384 : vector<1xf32> to vector<1x1x1xf32>
      %reduce_sum3A_386 = vector.extract %reduce_sum3A_385[0, 0, 0] : f32 from vector<1x1x1xf32>
      %add3A_387 = arith.constant 5.000000e-01 : f32
      %add3A_388 = arith.addf %reduce_sum3A_386, %add3A_387 : f32
      %convert_element_type3A_389 = arith.fptosi %add3A_388 : f32 to i32
      %eq3A_390 = arith.constant 13 : i32
      %eq3A_391 = vector.broadcast %eq3A_390 : i32 to vector<8x256xi32>
      %eq3A_392 = arith.cmpi eq, %get3A_112, %eq3A_391 : vector<8x256xi32>
      %add3A_393 = vector.broadcast %convert_element_type3A_389 : i32 to vector<8x256xi32>
      %add3A_394 = arith.addi %select_n3A_375, %add3A_393 : vector<8x256xi32>
      %select_n3A_395 = arith.select %eq3A_392, %add3A_394, %select_n3A_375 : vector<8x256xi1>, vector<8x256xi32>
      %eq3A_396 = arith.constant 14 : i32
      %eq3A_397 = vector.broadcast %eq3A_396 : i32 to vector<1x16xi32>
      %eq3A_398 = arith.cmpi eq, %iota3A_108, %eq3A_397 : vector<1x16xi32>
      %jit3A_399 = arith.constant 0.000000e+00 : f32
      %broadcast_in_dim3A_400 = vector.broadcast %jit3A_399 : f32 to vector<1x16xf32>
      %select_n3A_401 = arith.select %eq3A_398, %convert_element_type3A_109, %broadcast_in_dim3A_400 : vector<1x16xi1>, vector<1x16xf32>
      %reduce_sum3A_402 = vector.shape_cast %select_n3A_401 : vector<1x16xf32> to vector<1x1x16xf32>
      %reduce_sum3A_403 = arith.constant dense<0.000000e+00> : vector<1xf32>
      %reduce_sum3A_404 = vector.multi_reduction <add>, %reduce_sum3A_402, %reduce_sum3A_403 [1, 2] : vector<1x1x16xf32> to vector<1xf32>
      %reduce_sum3A_405 = vector.shape_cast %reduce_sum3A_404 : vector<1xf32> to vector<1x1x1xf32>
      %reduce_sum3A_406 = vector.extract %reduce_sum3A_405[0, 0, 0] : f32 from vector<1x1x1xf32>
      %add3A_407 = arith.constant 5.000000e-01 : f32
      %add3A_408 = arith.addf %reduce_sum3A_406, %add3A_407 : f32
      %convert_element_type3A_409 = arith.fptosi %add3A_408 : f32 to i32
      %eq3A_410 = arith.constant 14 : i32
      %eq3A_411 = vector.broadcast %eq3A_410 : i32 to vector<8x256xi32>
      %eq3A_412 = arith.cmpi eq, %get3A_112, %eq3A_411 : vector<8x256xi32>
      %add3A_413 = vector.broadcast %convert_element_type3A_409 : i32 to vector<8x256xi32>
      %add3A_414 = arith.addi %select_n3A_395, %add3A_413 : vector<8x256xi32>
      %select_n3A_415 = arith.select %eq3A_412, %add3A_414, %select_n3A_395 : vector<8x256xi1>, vector<8x256xi32>
      %eq3A_416 = arith.constant 15 : i32
      %eq3A_417 = vector.broadcast %eq3A_416 : i32 to vector<1x16xi32>
      %eq3A_418 = arith.cmpi eq, %iota3A_108, %eq3A_417 : vector<1x16xi32>
      %jit3A_419 = arith.constant 0.000000e+00 : f32
      %broadcast_in_dim3A_420 = vector.broadcast %jit3A_419 : f32 to vector<1x16xf32>
      %select_n3A_421 = arith.select %eq3A_418, %convert_element_type3A_109, %broadcast_in_dim3A_420 : vector<1x16xi1>, vector<1x16xf32>
      %reduce_sum3A_422 = vector.shape_cast %select_n3A_421 : vector<1x16xf32> to vector<1x1x16xf32>
      %reduce_sum3A_423 = arith.constant dense<0.000000e+00> : vector<1xf32>
      %reduce_sum3A_424 = vector.multi_reduction <add>, %reduce_sum3A_422, %reduce_sum3A_423 [1, 2] : vector<1x1x16xf32> to vector<1xf32>
      %reduce_sum3A_425 = vector.shape_cast %reduce_sum3A_424 : vector<1xf32> to vector<1x1x1xf32>
      %reduce_sum3A_426 = vector.extract %reduce_sum3A_425[0, 0, 0] : f32 from vector<1x1x1xf32>
      %add3A_427 = arith.constant 5.000000e-01 : f32
      %add3A_428 = arith.addf %reduce_sum3A_426, %add3A_427 : f32
      %convert_element_type3A_429 = arith.fptosi %add3A_428 : f32 to i32
      %eq3A_430 = arith.constant 15 : i32
      %eq3A_431 = vector.broadcast %eq3A_430 : i32 to vector<8x256xi32>
      %eq3A_432 = arith.cmpi eq, %get3A_112, %eq3A_431 : vector<8x256xi32>
      %add3A_433 = vector.broadcast %convert_element_type3A_429 : i32 to vector<8x256xi32>
      %add3A_434 = arith.addi %select_n3A_415, %add3A_433 : vector<8x256xi32>
      %select_n3A_435 = arith.select %eq3A_432, %add3A_434, %select_n3A_415 : vector<8x256xi1>, vector<8x256xi32>
      %swap3A_436 = arith.constant 0 : index
      %swap3A_437 = arith.constant 0 : index
      %swap3A_438 = vector.load %arg8[%swap3A_436, %swap3A_437] : memref<8x256xi32, #tpu.memory_space<vmem>>, vector<8x256xi32>
      tpu.vector_store %arg8[%swap3A_436, %swap3A_437], %select_n3A_435 {strides = array<i32>} : memref<8x256xi32, #tpu.memory_space<vmem>>, vector<8x256xi32>,
      %iota3A_439 = tpu.iota {dimensions = array<i32: 1>} : vector<1x64xi32>
      %iota3A_440 = tpu.iota {dimensions = array<i32: 0>} : vector<16x64xi32>
      %iota3A_441 = tpu.iota {dimensions = array<i32: 1>} : vector<16x64xi32>
      %add3A_442 = arith.constant 8 : i32
      %add3A_443 = vector.broadcast %add3A_442 : i32 to vector<16x64xi32>
      %add3A_444 = arith.addi %iota3A_440, %add3A_443 : vector<16x64xi32>
      %add3A_445 = arith.constant 1 : i32
      %add3A_446 = vector.broadcast %add3A_445 : i32 to vector<16x64xi32>
      %add3A_447 = arith.addi %add3A_444, %add3A_446 : vector<16x64xi32>
      %eq3A_448 = arith.cmpi eq, %iota3A_441, %add3A_447 : vector<16x64xi32>
      %jit3A_449 = arith.constant 1.000000e+00 : f32
      %jit3A_450 = arith.constant 0.000000e+00 : f32
      %broadcast_in_dim3A_451 = vector.broadcast %jit3A_449 : f32 to vector<16x64xf32>
      %broadcast_in_dim3A_452 = vector.broadcast %jit3A_450 : f32 to vector<16x64xf32>
      %select_n3A_453 = arith.select %eq3A_448, %broadcast_in_dim3A_451, %broadcast_in_dim3A_452 : vector<16x64xi1>, vector<16x64xf32>
      %convert_element_type3A_454 = arith.sitofp %convert_element_type3A_97 : vector<1x16xi32> to vector<1x16xf32>
      %dot_general3A_455 = arith.constant dense<0.000000e+00> : vector<1x64xf32>
      %dot_general3A_456 = tpu.matmul %convert_element_type3A_454, %select_n3A_453, %dot_general3A_455 {dimension_numbers = #tpu.dot_dimension_numbers<[1], [0], [0], [1], [0, 0, 1, 1], [], []>, precision = #tpu.contract_precision<fp32>, transpose_lhs_hint = false} : vector<1x16xf32>, vector<16x64xf32>, vector<1x64xf32> -> vector<1x64xf32>
      %le3A_457 = arith.constant 8 : i32
      %le3A_458 = vector.broadcast %le3A_457 : i32 to vector<1x64xi32>
      %le3A_459 = arith.cmpi sle, %iota3A_439, %le3A_458 : vector<1x64xi32>
      %mul3A_460 = arith.constant 256 : i32
      %mul3A_461 = vector.broadcast %mul3A_460 : i32 to vector<1x64xi32>
      %mul3A_462 = arith.muli %iota3A_439, %mul3A_461 : vector<1x64xi32>
      %convert_element_type3A_463 = arith.sitofp %mul3A_462 : vector<1x64xi32> to vector<1x64xf32>
      %le3A_464 = arith.constant 24 : i32
      %le3A_465 = vector.broadcast %le3A_464 : i32 to vector<1x64xi32>
      %le3A_466 = arith.cmpi sle, %iota3A_439, %le3A_465 : vector<1x64xi32>
      %jit3A_467 = arith.constant 2.048000e+03 : f32
      %broadcast_in_dim3A_468 = vector.broadcast %jit3A_467 : f32 to vector<1x64xf32>
      %select_n3A_469 = arith.select %le3A_466, %dot_general3A_456, %broadcast_in_dim3A_468 : vector<1x64xi1>, vector<1x64xf32>
      %select_n3A_470 = arith.select %le3A_459, %convert_element_type3A_463, %select_n3A_469 : vector<1x64xi1>, vector<1x64xf32>
      %iota3A_471 = tpu.iota {dimensions = array<i32: 0>} : vector<64x64xi32>
      %iota3A_472 = tpu.iota {dimensions = array<i32: 1>} : vector<64x64xi32>
      %eq3A_473 = arith.cmpi eq, %iota3A_471, %iota3A_472 : vector<64x64xi32>
      %jit3A_474 = arith.constant 1.000000e+00 : f32
      %jit3A_475 = arith.constant 0.000000e+00 : f32
      %broadcast_in_dim3A_476 = vector.broadcast %jit3A_474 : f32 to vector<64x64xf32>
      %broadcast_in_dim3A_477 = vector.broadcast %jit3A_475 : f32 to vector<64x64xf32>
      %select_n3A_478 = arith.select %eq3A_473, %broadcast_in_dim3A_476, %broadcast_in_dim3A_477 : vector<64x64xi1>, vector<64x64xf32>
      %dot_general3A_479 = arith.constant dense<0.000000e+00> : vector<64x1xf32>
      %dot_general3A_480 = tpu.matmul %select_n3A_478, %select_n3A_470, %dot_general3A_479 {dimension_numbers = #tpu.dot_dimension_numbers<[1], [1], [0], [0], [0, 0, 1, 0], [], []>, precision = #tpu.contract_precision<fp32>, transpose_lhs_hint = false} : vector<64x64xf32>, vector<1x64xf32>, vector<64x1xf32> -> vector<64x1xf32>
      %lt3A_481 = vector.broadcast %select_n3A_470 : vector<1x64xf32> to vector<64x64xf32>
      %lt3A_482 = vector.broadcast %dot_general3A_480 : vector<64x1xf32> to vector<64x64xf32>
      %lt3A_483 = arith.cmpf olt, %lt3A_481, %lt3A_482 : vector<64x64xf32>
      %jit3A_484 = arith.constant 1.000000e+00 : f32
      %jit3A_485 = arith.constant 0.000000e+00 : f32
      %broadcast_in_dim3A_486 = vector.broadcast %jit3A_484 : f32 to vector<64x64xf32>
      %broadcast_in_dim3A_487 = vector.broadcast %jit3A_485 : f32 to vector<64x64xf32>
      %select_n3A_488 = arith.select %lt3A_483, %broadcast_in_dim3A_486, %broadcast_in_dim3A_487 : vector<64x64xi1>, vector<64x64xf32>
      %eq3A_489 = vector.broadcast %select_n3A_470 : vector<1x64xf32> to vector<64x64xf32>
      %eq3A_490 = vector.broadcast %dot_general3A_480 : vector<64x1xf32> to vector<64x64xf32>
      %eq3A_491 = arith.cmpf oeq, %eq3A_489, %eq3A_490 : vector<64x64xf32>
      %lt3A_492 = arith.cmpi slt, %iota3A_472, %iota3A_471 : vector<64x64xi32>
      %and3A = arith.andi %eq3A_491, %lt3A_492 : vector<64x64xi1>
      %jit3A_493 = arith.constant 1.000000e+00 : f32
      %jit3A_494 = arith.constant 0.000000e+00 : f32
      %broadcast_in_dim3A_495 = vector.broadcast %jit3A_493 : f32 to vector<64x64xf32>
      %broadcast_in_dim3A_496 = vector.broadcast %jit3A_494 : f32 to vector<64x64xf32>
      %select_n3A_497 = arith.select %and3A, %broadcast_in_dim3A_495, %broadcast_in_dim3A_496 : vector<64x64xi1>, vector<64x64xf32>
      %add3A_498 = arith.addf %select_n3A_488, %select_n3A_497 : vector<64x64xf32>
      %reduce_sum3A_499 = arith.constant dense<0.000000e+00> : vector<64xf32>
      %reduce_sum3A_500 = vector.multi_reduction <add>, %add3A_498, %reduce_sum3A_499 [1] : vector<64x64xf32> to vector<64xf32>
      %broadcast_in_dim3A_501 = vector.shape_cast %reduce_sum3A_500 : vector<64xf32> to vector<64x1xf32>
      %add3A_502 = arith.constant 5.000000e-01 : f32
      %add3A_503 = vector.broadcast %add3A_502 : f32 to vector<64x1xf32>
      %add3A_504 = arith.addf %broadcast_in_dim3A_501, %add3A_503 : vector<64x1xf32>
      %convert_element_type3A_505 = arith.fptosi %add3A_504 : vector<64x1xf32> to vector<64x1xi32>
      %eq3A_506 = vector.broadcast %convert_element_type3A_505 : vector<64x1xi32> to vector<64x64xi32>
      %eq3A_507 = arith.cmpi eq, %iota3A_472, %eq3A_506 : vector<64x64xi32>
      %jit3A_508 = arith.constant 1.000000e+00 : f32
      %jit3A_509 = arith.constant 0.000000e+00 : f32
      %broadcast_in_dim3A_510 = vector.broadcast %jit3A_508 : f32 to vector<64x64xf32>
      %broadcast_in_dim3A_511 = vector.broadcast %jit3A_509 : f32 to vector<64x64xf32>
      %select_n3A_512 = arith.select %eq3A_507, %broadcast_in_dim3A_510, %broadcast_in_dim3A_511 : vector<64x64xi1>, vector<64x64xf32>
      %dot_general3A_513 = arith.constant dense<0.000000e+00> : vector<1x64xf32>
      %dot_general3A_514 = tpu.matmul %select_n3A_470, %select_n3A_512, %dot_general3A_513 {dimension_numbers = #tpu.dot_dimension_numbers<[1], [0], [0], [1], [0, 0, 1, 1], [], []>, precision = #tpu.contract_precision<fp32>, transpose_lhs_hint = false} : vector<1x64xf32>, vector<64x64xf32>, vector<1x64xf32> -> vector<1x64xf32>
      %add3A_515 = arith.constant 5.000000e-01 : f32
      %add3A_516 = vector.broadcast %add3A_515 : f32 to vector<1x64xf32>
      %add3A_517 = arith.addf %dot_general3A_514, %add3A_516 : vector<1x64xf32>
      %convert_element_type3A_518 = arith.fptosi %add3A_517 : vector<1x64xf32> to vector<1x64xi32>
      %swap3A_519 = arith.constant 0 : index
      %swap3A_520 = arith.constant 0 : index
      %swap3A_521 = vector.load %arg9[%swap3A_519, %swap3A_520] : memref<1x64xi32, #tpu.memory_space<vmem>>, vector<1x64xi32>
      tpu.vector_store %arg9[%swap3A_519, %swap3A_520], %convert_element_type3A_518 {strides = array<i32>} : memref<1x64xi32, #tpu.memory_space<vmem>>, vector<1x64xi32>,
    } else {
    }
    return
  }
  func.func @transform_0(%arg0: i32) -> (i32, i32) {
    %c0_i32 = arith.constant 0 : i32
    %c0_i32_0 = arith.constant 0 : i32
    %c0_i32_1 = arith.constant 0 : i32
    return %c0_i32, %c0_i32_0 : i32, i32
  }
  func.func @transform_1(%arg0: i32) -> (i32, i32) {
    %c0_i32 = arith.constant 0 : i32
    %c0_i32_0 = arith.constant 0 : i32
    return %arg0, %c0_i32 : i32, i32
  }
  func.func @transform_2(%arg0: i32) -> (i32, i32) {
    %c0_i32 = arith.constant 0 : i32
    %c0_i32_0 = arith.constant 0 : i32
    return %arg0, %c0_i32 : i32, i32
  }
  func.func @transform_3(%arg0: i32) -> (i32, i32) {
    %c0_i32 = arith.constant 0 : i32
    %c0_i32_0 = arith.constant 0 : i32
    %c0_i32_1 = arith.constant 0 : i32
    return %c0_i32, %c0_i32_0 : i32, i32
  }
  func.func @transform_4(%arg0: i32) -> (i32, i32) {
    %c0_i32 = arith.constant 0 : i32
    %c0_i32_0 = arith.constant 0 : i32
    %c0_i32_1 = arith.constant 0 : i32
    return %c0_i32, %c0_i32_0 : i32, i32
  }
  func.func @transform_5(%arg0: i32) -> (i32, i32) {
    %c0_i32 = arith.constant 0 : i32
    %c0_i32_0 = arith.constant 0 : i32
    %c0_i32_1 = arith.constant 0 : i32
    return %c0_i32, %c0_i32_0 : i32, i32
  }
  func.func @transform_6(%arg0: i32) -> (i32, i32) {
    %c0_i32 = arith.constant 0 : i32
    %c0_i32_0 = arith.constant 0 : i32
    %c0_i32_1 = arith.constant 0 : i32
    return %c0_i32, %c0_i32_0 : i32, i32
  }
  func.func @transform_7(%arg0: i32) -> (i32, i32) {
    %c0_i32 = arith.constant 0 : i32
    %c0_i32_0 = arith.constant 0 : i32
    %c0_i32_1 = arith.constant 0 : i32
    return %c0_i32, %c0_i32_0 : i32, i32
  }
  func.func @transform_8(%arg0: i32) -> (i32, i32) {
    %c0_i32 = arith.constant 0 : i32
    %c0_i32_0 = arith.constant 0 : i32
    %c0_i32_1 = arith.constant 0 : i32
    return %c0_i32, %c0_i32_0 : i32, i32
  }
}

module attributes {stable_mosaic.version = 14 : i64} {
  func.func @_grouped_body(%arg0: i32, %arg1: memref<64xi32, #tpu.memory_space<smem>>, %arg2: memref<16xi32, #tpu.memory_space<smem>>, %arg3: memref<256x1024xf32, #tpu.memory_space<vmem>>, %arg4: memref<1x512x1024xf32, #tpu.memory_space<vmem>>, %arg5: memref<1x512x1024xf32, #tpu.memory_space<vmem>>, %arg6: memref<1x1024x512xf32, #tpu.memory_space<vmem>>, %arg7: memref<256x1024xf32, #tpu.memory_space<vmem>>) attributes {dimension_semantics = [#tpu.dimension_semantics<arbitrary>], iteration_bounds = array<i64: 24>, scalar_prefetch = 2 : i64, scratch_operands = 0 : i64, tpu.core_type = #tpu.core_type<tc>, window_params = [{transform_indices = @transform_0, window_bounds = array<i64: 256, 1024>}, {transform_indices = @transform_1, window_bounds = array<i64: 1, 512, 1024>}, {transform_indices = @transform_2, window_bounds = array<i64: 1, 512, 1024>}, {transform_indices = @transform_3, window_bounds = array<i64: 1, 1024, 512>}, {transform_indices = @transform_4, window_bounds = array<i64: 256, 1024>}]} {
    %get3A = arith.index_cast %arg0 : i32 to index
    %get3A_0 = memref.load %arg1[%get3A] : memref<64xi32, #tpu.memory_space<smem>>
    %add3A = arith.constant 1 : i32
    %add3A_1 = arith.addi %arg0, %add3A : i32
    %get3A_2 = arith.index_cast %add3A_1 : i32 to index
    %get3A_3 = memref.load %arg1[%get3A_2] : memref<64xi32, #tpu.memory_space<smem>>
    %get3A_4 = arith.index_cast %arg0 : i32 to index
    %get3A_5 = memref.load %arg1[%get3A_4] : memref<64xi32, #tpu.memory_space<smem>>
    %jit3A = arith.constant 256 : i32
    %div3A = arith.divsi %get3A_5, %jit3A : i32
    %sign3A = arith.constant 0 : i32
    %sign3A_6 = arith.cmpi sgt, %get3A_5, %sign3A : i32
    %sign3A_7 = arith.extui %sign3A_6 : i1 to i32
    %sign3A_8 = arith.constant 0 : i32
    %sign3A_9 = arith.cmpi slt, %get3A_5, %sign3A_8 : i32
    %sign3A_10 = arith.extui %sign3A_9 : i1 to i32
    %sign3A_11 = arith.subi %sign3A_7, %sign3A_10 : i32
    %sign3A_12 = arith.constant 0 : i32
    %sign3A_13 = arith.cmpi sgt, %jit3A, %sign3A_12 : i32
    %sign3A_14 = arith.extui %sign3A_13 : i1 to i32
    %sign3A_15 = arith.constant 0 : i32
    %sign3A_16 = arith.cmpi slt, %jit3A, %sign3A_15 : i32
    %sign3A_17 = arith.extui %sign3A_16 : i1 to i32
    %sign3A_18 = arith.subi %sign3A_14, %sign3A_17 : i32
    %ne3A = arith.cmpi ne, %sign3A_11, %sign3A_18 : i32
    %rem3A = arith.remsi %get3A_5, %jit3A : i32
    %ne3A_19 = arith.constant 0 : i32
    %ne3A_20 = arith.cmpi ne, %rem3A, %ne3A_19 : i32
    %and3A = arith.andi %ne3A, %ne3A_20 : i1
    %sub3A = arith.constant 1 : i32
    %sub3A_21 = arith.subi %div3A, %sub3A : i32
    %select_n3A = arith.select %and3A, %sub3A_21, %div3A : i32
    %min3A = arith.constant 7 : i32
    %min3A_22 = arith.minsi %select_n3A, %min3A : i32
    %sub3A_23 = arith.constant 1 : i32
    %sub3A_24 = arith.subi %arg0, %sub3A_23 : i32
    %max3A = arith.constant 0 : i32
    %max3A_25 = arith.maxsi %sub3A_24, %max3A : i32
    %get3A_26 = arith.index_cast %max3A_25 : i32 to index
    %get3A_27 = memref.load %arg1[%get3A_26] : memref<64xi32, #tpu.memory_space<smem>>
    %jit3A_28 = arith.constant 256 : i32
    %div3A_29 = arith.divsi %get3A_27, %jit3A_28 : i32
    %sign3A_30 = arith.constant 0 : i32
    %sign3A_31 = arith.cmpi sgt, %get3A_27, %sign3A_30 : i32
    %sign3A_32 = arith.extui %sign3A_31 : i1 to i32
    %sign3A_33 = arith.constant 0 : i32
    %sign3A_34 = arith.cmpi slt, %get3A_27, %sign3A_33 : i32
    %sign3A_35 = arith.extui %sign3A_34 : i1 to i32
    %sign3A_36 = arith.subi %sign3A_32, %sign3A_35 : i32
    %sign3A_37 = arith.constant 0 : i32
    %sign3A_38 = arith.cmpi sgt, %jit3A_28, %sign3A_37 : i32
    %sign3A_39 = arith.extui %sign3A_38 : i1 to i32
    %sign3A_40 = arith.constant 0 : i32
    %sign3A_41 = arith.cmpi slt, %jit3A_28, %sign3A_40 : i32
    %sign3A_42 = arith.extui %sign3A_41 : i1 to i32
    %sign3A_43 = arith.subi %sign3A_39, %sign3A_42 : i32
    %ne3A_44 = arith.cmpi ne, %sign3A_36, %sign3A_43 : i32
    %rem3A_45 = arith.remsi %get3A_27, %jit3A_28 : i32
    %ne3A_46 = arith.constant 0 : i32
    %ne3A_47 = arith.cmpi ne, %rem3A_45, %ne3A_46 : i32
    %and3A_48 = arith.andi %ne3A_44, %ne3A_47 : i1
    %sub3A_49 = arith.constant 1 : i32
    %sub3A_50 = arith.subi %div3A_29, %sub3A_49 : i32
    %select_n3A_51 = arith.select %and3A_48, %sub3A_50, %div3A_29 : i32
    %min3A_52 = arith.constant 7 : i32
    %min3A_53 = arith.minsi %select_n3A_51, %min3A_52 : i32
    %eq3A = arith.constant 0 : i32
    %eq3A_54 = arith.cmpi eq, %arg0, %eq3A : i32
    %ne3A_55 = arith.cmpi ne, %min3A_22, %min3A_53 : i32
    %or3A = arith.ori %eq3A_54, %ne3A_55 : i1
    %gt3A = arith.cmpi sgt, %get3A_3, %get3A_0 : i32
    %convert_element_type3A = arith.extui %or3A : i1 to i32
    %cond3A = arith.constant 0 : i32
    %cond3A_56 = arith.cmpi ne, %convert_element_type3A, %cond3A : i32
    scf.if %cond3A_56 {
      %broadcast_in_dim3A = arith.constant 0.000000e+00 : f32
      %broadcast_in_dim3A_60 = vector.broadcast %broadcast_in_dim3A : f32 to vector<256x1024xf32>
      %swap3A = arith.constant 0 : index
      %swap3A_61 = arith.constant 0 : index
      %swap3A_62 = vector.load %arg7[%swap3A, %swap3A_61] : memref<256x1024xf32, #tpu.memory_space<vmem>>, vector<256x1024xf32>
      tpu.vector_store %arg7[%swap3A, %swap3A_61], %broadcast_in_dim3A_60 {strides = array<i32>} : memref<256x1024xf32, #tpu.memory_space<vmem>>, vector<256x1024xf32>,
    } else {
    }
    %convert_element_type3A_57 = arith.extui %gt3A : i1 to i32
    %cond3A_58 = arith.constant 0 : i32
    %cond3A_59 = arith.cmpi ne, %convert_element_type3A_57, %cond3A_58 : i32
    scf.if %cond3A_59 {
      %get3A_60 = arith.constant 0 : index
      %get3A_61 = arith.constant 0 : index
      %get3A_62 = vector.load %arg3[%get3A_60, %get3A_61] : memref<256x1024xf32, #tpu.memory_space<vmem>>, vector<256x1024xf32>
      %get3A_63 = arith.constant 0 : index
      %get3A_64 = arith.constant 0 : index
      %get3A_65 = arith.constant 0 : index
      %get3A_66 = vector.load %arg4[%get3A_63, %get3A_64, %get3A_65] : memref<1x512x1024xf32, #tpu.memory_space<vmem>>, vector<1x512x1024xf32>
      %get3A_67 = vector.shape_cast %get3A_66 : vector<1x512x1024xf32> to vector<512x1024xf32>
      %dot_general3A = arith.constant dense<0.000000e+00> : vector<256x512xf32>
      %dot_general3A_68 = tpu.matmul %get3A_62, %get3A_67, %dot_general3A {dimension_numbers = #tpu.dot_dimension_numbers<[1], [1], [0], [0], [0, 0, 1, 0], [], []>, transpose_lhs_hint = false} : vector<256x1024xf32>, vector<512x1024xf32>, vector<256x512xf32> -> vector<256x512xf32>
      %get3A_69 = arith.constant 0 : index
      %get3A_70 = arith.constant 0 : index
      %get3A_71 = arith.constant 0 : index
      %get3A_72 = vector.load %arg5[%get3A_69, %get3A_70, %get3A_71] : memref<1x512x1024xf32, #tpu.memory_space<vmem>>, vector<1x512x1024xf32>
      %get3A_73 = vector.shape_cast %get3A_72 : vector<1x512x1024xf32> to vector<512x1024xf32>
      %dot_general3A_74 = arith.constant dense<0.000000e+00> : vector<256x512xf32>
      %dot_general3A_75 = tpu.matmul %get3A_62, %get3A_73, %dot_general3A_74 {dimension_numbers = #tpu.dot_dimension_numbers<[1], [1], [0], [0], [0, 0, 1, 0], [], []>, transpose_lhs_hint = false} : vector<256x1024xf32>, vector<512x1024xf32>, vector<256x512xf32> -> vector<256x512xf32>
      %mul3A = arith.constant 256 : i32
      %mul3A_76 = arith.muli %min3A_22, %mul3A : i32
      %iota3A = tpu.iota {dimensions = array<i32: 0>} : vector<256x1xi32>
      %add3A_77 = vector.broadcast %mul3A_76 : i32 to vector<256x1xi32>
      %add3A_78 = arith.addi %add3A_77, %iota3A : vector<256x1xi32>
      %ge3A = vector.broadcast %get3A_0 : i32 to vector<256x1xi32>
      %ge3A_79 = arith.cmpi sge, %add3A_78, %ge3A : vector<256x1xi32>
      %lt3A = vector.broadcast %get3A_3 : i32 to vector<256x1xi32>
      %lt3A_80 = arith.cmpi slt, %add3A_78, %lt3A : vector<256x1xi32>
      %and3A_81 = arith.andi %ge3A_79, %lt3A_80 : vector<256x1xi1>
      %jit3A_82 = arith.constant 1.000000e+00 : f32
      %jit3A_83 = arith.constant 0.000000e+00 : f32
      %broadcast_in_dim3A = vector.broadcast %jit3A_82 : f32 to vector<256x1xf32>
      %broadcast_in_dim3A_84 = vector.broadcast %jit3A_83 : f32 to vector<256x1xf32>
      %select_n3A_85 = arith.select %and3A_81, %broadcast_in_dim3A, %broadcast_in_dim3A_84 : vector<256x1xi1>, vector<256x1xf32>
      %logistic3A = arith.negf %dot_general3A_68 : vector<256x512xf32>
      %logistic3A_86 = math.exp %logistic3A : vector<256x512xf32>
      %logistic3A_87 = arith.constant 1.000000e+00 : f32
      %logistic3A_88 = vector.broadcast %logistic3A_87 : f32 to vector<256x512xf32>
      %logistic3A_89 = arith.addf %logistic3A_88, %logistic3A_86 : vector<256x512xf32>
      %logistic3A_90 = arith.divf %logistic3A_88, %logistic3A_89 : vector<256x512xf32>
      %mul3A_91 = arith.mulf %dot_general3A_68, %logistic3A_90 : vector<256x512xf32>
      %mul3A_92 = arith.mulf %mul3A_91, %dot_general3A_75 : vector<256x512xf32>
      %mul3A_93 = vector.broadcast %select_n3A_85 : vector<256x1xf32> to vector<256x512xf32>
      %mul3A_94 = arith.mulf %mul3A_92, %mul3A_93 : vector<256x512xf32>
      %get3A_95 = arith.constant 0 : index
      %get3A_96 = arith.constant 0 : index
      %get3A_97 = arith.constant 0 : index
      %get3A_98 = vector.load %arg6[%get3A_95, %get3A_96, %get3A_97] : memref<1x1024x512xf32, #tpu.memory_space<vmem>>, vector<1x1024x512xf32>
      %get3A_99 = vector.shape_cast %get3A_98 : vector<1x1024x512xf32> to vector<1024x512xf32>
      %dot_general3A_100 = arith.constant dense<0.000000e+00> : vector<256x1024xf32>
      %dot_general3A_101 = tpu.matmul %mul3A_94, %get3A_99, %dot_general3A_100 {dimension_numbers = #tpu.dot_dimension_numbers<[1], [1], [0], [0], [0, 0, 1, 0], [], []>, transpose_lhs_hint = false} : vector<256x512xf32>, vector<1024x512xf32>, vector<256x1024xf32> -> vector<256x1024xf32>
      %get3A_102 = arith.constant 0 : index
      %get3A_103 = arith.constant 0 : index
      %get3A_104 = vector.load %arg7[%get3A_102, %get3A_103] : memref<256x1024xf32, #tpu.memory_space<vmem>>, vector<256x1024xf32>
      %add3A_105 = arith.addf %get3A_104, %dot_general3A_101 : vector<256x1024xf32>
      %swap3A = arith.constant 0 : index
      %swap3A_106 = arith.constant 0 : index
      %swap3A_107 = vector.load %arg7[%swap3A, %swap3A_106] : memref<256x1024xf32, #tpu.memory_space<vmem>>, vector<256x1024xf32>
      tpu.vector_store %arg7[%swap3A, %swap3A_106], %add3A_105 {strides = array<i32>} : memref<256x1024xf32, #tpu.memory_space<vmem>>, vector<256x1024xf32>,
    } else {
    }
    return
  }
  func.func @transform_0(%arg0: i32, %arg1: memref<64xi32, #tpu.memory_space<smem>>, %arg2: memref<16xi32, #tpu.memory_space<smem>>) -> (i32, i32) {
    %get3A = arith.index_cast %arg0 : i32 to index
    %get3A_0 = memref.load %arg1[%get3A] : memref<64xi32, #tpu.memory_space<smem>>
    %jit3A = arith.constant 256 : i32
    %div3A = arith.divsi %get3A_0, %jit3A : i32
    %sign3A = arith.constant 0 : i32
    %sign3A_1 = arith.cmpi sgt, %get3A_0, %sign3A : i32
    %sign3A_2 = arith.extui %sign3A_1 : i1 to i32
    %sign3A_3 = arith.constant 0 : i32
    %sign3A_4 = arith.cmpi slt, %get3A_0, %sign3A_3 : i32
    %sign3A_5 = arith.extui %sign3A_4 : i1 to i32
    %sign3A_6 = arith.subi %sign3A_2, %sign3A_5 : i32
    %sign3A_7 = arith.constant 0 : i32
    %sign3A_8 = arith.cmpi sgt, %jit3A, %sign3A_7 : i32
    %sign3A_9 = arith.extui %sign3A_8 : i1 to i32
    %sign3A_10 = arith.constant 0 : i32
    %sign3A_11 = arith.cmpi slt, %jit3A, %sign3A_10 : i32
    %sign3A_12 = arith.extui %sign3A_11 : i1 to i32
    %sign3A_13 = arith.subi %sign3A_9, %sign3A_12 : i32
    %ne3A = arith.cmpi ne, %sign3A_6, %sign3A_13 : i32
    %rem3A = arith.remsi %get3A_0, %jit3A : i32
    %ne3A_14 = arith.constant 0 : i32
    %ne3A_15 = arith.cmpi ne, %rem3A, %ne3A_14 : i32
    %and3A = arith.andi %ne3A, %ne3A_15 : i1
    %sub3A = arith.constant 1 : i32
    %sub3A_16 = arith.subi %div3A, %sub3A : i32
    %select_n3A = arith.select %and3A, %sub3A_16, %div3A : i32
    %min3A = arith.constant 7 : i32
    %min3A_17 = arith.minsi %select_n3A, %min3A : i32
    %c0_i32 = arith.constant 0 : i32
    %c0_i32_18 = arith.constant 0 : i32
    return %min3A_17, %c0_i32 : i32, i32
  }
  func.func @transform_1(%arg0: i32, %arg1: memref<64xi32, #tpu.memory_space<smem>>, %arg2: memref<16xi32, #tpu.memory_space<smem>>) -> (i32, i32, i32) {
    %get3A = arith.index_cast %arg0 : i32 to index
    %get3A_0 = memref.load %arg1[%get3A] : memref<64xi32, #tpu.memory_space<smem>>
    %get3A_1 = arith.constant 0 : index
    %get3A_2 = memref.load %arg2[%get3A_1] : memref<16xi32, #tpu.memory_space<smem>>
    %le3A = arith.cmpi sle, %get3A_2, %get3A_0 : i32
    %jit3A = arith.constant 1 : i32
    %jit3A_3 = arith.constant 0 : i32
    %select_n3A = arith.select %le3A, %jit3A, %jit3A_3 : i32
    %add3A = arith.constant 0 : i32
    %add3A_4 = arith.addi %add3A, %select_n3A : i32
    %get3A_5 = arith.constant 1 : index
    %get3A_6 = memref.load %arg2[%get3A_5] : memref<16xi32, #tpu.memory_space<smem>>
    %le3A_7 = arith.cmpi sle, %get3A_6, %get3A_0 : i32
    %jit3A_8 = arith.constant 1 : i32
    %jit3A_9 = arith.constant 0 : i32
    %select_n3A_10 = arith.select %le3A_7, %jit3A_8, %jit3A_9 : i32
    %add3A_11 = arith.addi %add3A_4, %select_n3A_10 : i32
    %get3A_12 = arith.constant 2 : index
    %get3A_13 = memref.load %arg2[%get3A_12] : memref<16xi32, #tpu.memory_space<smem>>
    %le3A_14 = arith.cmpi sle, %get3A_13, %get3A_0 : i32
    %jit3A_15 = arith.constant 1 : i32
    %jit3A_16 = arith.constant 0 : i32
    %select_n3A_17 = arith.select %le3A_14, %jit3A_15, %jit3A_16 : i32
    %add3A_18 = arith.addi %add3A_11, %select_n3A_17 : i32
    %get3A_19 = arith.constant 3 : index
    %get3A_20 = memref.load %arg2[%get3A_19] : memref<16xi32, #tpu.memory_space<smem>>
    %le3A_21 = arith.cmpi sle, %get3A_20, %get3A_0 : i32
    %jit3A_22 = arith.constant 1 : i32
    %jit3A_23 = arith.constant 0 : i32
    %select_n3A_24 = arith.select %le3A_21, %jit3A_22, %jit3A_23 : i32
    %add3A_25 = arith.addi %add3A_18, %select_n3A_24 : i32
    %get3A_26 = arith.constant 4 : index
    %get3A_27 = memref.load %arg2[%get3A_26] : memref<16xi32, #tpu.memory_space<smem>>
    %le3A_28 = arith.cmpi sle, %get3A_27, %get3A_0 : i32
    %jit3A_29 = arith.constant 1 : i32
    %jit3A_30 = arith.constant 0 : i32
    %select_n3A_31 = arith.select %le3A_28, %jit3A_29, %jit3A_30 : i32
    %add3A_32 = arith.addi %add3A_25, %select_n3A_31 : i32
    %get3A_33 = arith.constant 5 : index
    %get3A_34 = memref.load %arg2[%get3A_33] : memref<16xi32, #tpu.memory_space<smem>>
    %le3A_35 = arith.cmpi sle, %get3A_34, %get3A_0 : i32
    %jit3A_36 = arith.constant 1 : i32
    %jit3A_37 = arith.constant 0 : i32
    %select_n3A_38 = arith.select %le3A_35, %jit3A_36, %jit3A_37 : i32
    %add3A_39 = arith.addi %add3A_32, %select_n3A_38 : i32
    %get3A_40 = arith.constant 6 : index
    %get3A_41 = memref.load %arg2[%get3A_40] : memref<16xi32, #tpu.memory_space<smem>>
    %le3A_42 = arith.cmpi sle, %get3A_41, %get3A_0 : i32
    %jit3A_43 = arith.constant 1 : i32
    %jit3A_44 = arith.constant 0 : i32
    %select_n3A_45 = arith.select %le3A_42, %jit3A_43, %jit3A_44 : i32
    %add3A_46 = arith.addi %add3A_39, %select_n3A_45 : i32
    %get3A_47 = arith.constant 7 : index
    %get3A_48 = memref.load %arg2[%get3A_47] : memref<16xi32, #tpu.memory_space<smem>>
    %le3A_49 = arith.cmpi sle, %get3A_48, %get3A_0 : i32
    %jit3A_50 = arith.constant 1 : i32
    %jit3A_51 = arith.constant 0 : i32
    %select_n3A_52 = arith.select %le3A_49, %jit3A_50, %jit3A_51 : i32
    %add3A_53 = arith.addi %add3A_46, %select_n3A_52 : i32
    %get3A_54 = arith.constant 8 : index
    %get3A_55 = memref.load %arg2[%get3A_54] : memref<16xi32, #tpu.memory_space<smem>>
    %le3A_56 = arith.cmpi sle, %get3A_55, %get3A_0 : i32
    %jit3A_57 = arith.constant 1 : i32
    %jit3A_58 = arith.constant 0 : i32
    %select_n3A_59 = arith.select %le3A_56, %jit3A_57, %jit3A_58 : i32
    %add3A_60 = arith.addi %add3A_53, %select_n3A_59 : i32
    %get3A_61 = arith.constant 9 : index
    %get3A_62 = memref.load %arg2[%get3A_61] : memref<16xi32, #tpu.memory_space<smem>>
    %le3A_63 = arith.cmpi sle, %get3A_62, %get3A_0 : i32
    %jit3A_64 = arith.constant 1 : i32
    %jit3A_65 = arith.constant 0 : i32
    %select_n3A_66 = arith.select %le3A_63, %jit3A_64, %jit3A_65 : i32
    %add3A_67 = arith.addi %add3A_60, %select_n3A_66 : i32
    %get3A_68 = arith.constant 10 : index
    %get3A_69 = memref.load %arg2[%get3A_68] : memref<16xi32, #tpu.memory_space<smem>>
    %le3A_70 = arith.cmpi sle, %get3A_69, %get3A_0 : i32
    %jit3A_71 = arith.constant 1 : i32
    %jit3A_72 = arith.constant 0 : i32
    %select_n3A_73 = arith.select %le3A_70, %jit3A_71, %jit3A_72 : i32
    %add3A_74 = arith.addi %add3A_67, %select_n3A_73 : i32
    %get3A_75 = arith.constant 11 : index
    %get3A_76 = memref.load %arg2[%get3A_75] : memref<16xi32, #tpu.memory_space<smem>>
    %le3A_77 = arith.cmpi sle, %get3A_76, %get3A_0 : i32
    %jit3A_78 = arith.constant 1 : i32
    %jit3A_79 = arith.constant 0 : i32
    %select_n3A_80 = arith.select %le3A_77, %jit3A_78, %jit3A_79 : i32
    %add3A_81 = arith.addi %add3A_74, %select_n3A_80 : i32
    %get3A_82 = arith.constant 12 : index
    %get3A_83 = memref.load %arg2[%get3A_82] : memref<16xi32, #tpu.memory_space<smem>>
    %le3A_84 = arith.cmpi sle, %get3A_83, %get3A_0 : i32
    %jit3A_85 = arith.constant 1 : i32
    %jit3A_86 = arith.constant 0 : i32
    %select_n3A_87 = arith.select %le3A_84, %jit3A_85, %jit3A_86 : i32
    %add3A_88 = arith.addi %add3A_81, %select_n3A_87 : i32
    %get3A_89 = arith.constant 13 : index
    %get3A_90 = memref.load %arg2[%get3A_89] : memref<16xi32, #tpu.memory_space<smem>>
    %le3A_91 = arith.cmpi sle, %get3A_90, %get3A_0 : i32
    %jit3A_92 = arith.constant 1 : i32
    %jit3A_93 = arith.constant 0 : i32
    %select_n3A_94 = arith.select %le3A_91, %jit3A_92, %jit3A_93 : i32
    %add3A_95 = arith.addi %add3A_88, %select_n3A_94 : i32
    %get3A_96 = arith.constant 14 : index
    %get3A_97 = memref.load %arg2[%get3A_96] : memref<16xi32, #tpu.memory_space<smem>>
    %le3A_98 = arith.cmpi sle, %get3A_97, %get3A_0 : i32
    %jit3A_99 = arith.constant 1 : i32
    %jit3A_100 = arith.constant 0 : i32
    %select_n3A_101 = arith.select %le3A_98, %jit3A_99, %jit3A_100 : i32
    %add3A_102 = arith.addi %add3A_95, %select_n3A_101 : i32
    %get3A_103 = arith.constant 15 : index
    %get3A_104 = memref.load %arg2[%get3A_103] : memref<16xi32, #tpu.memory_space<smem>>
    %le3A_105 = arith.cmpi sle, %get3A_104, %get3A_0 : i32
    %jit3A_106 = arith.constant 1 : i32
    %jit3A_107 = arith.constant 0 : i32
    %select_n3A_108 = arith.select %le3A_105, %jit3A_106, %jit3A_107 : i32
    %add3A_109 = arith.addi %add3A_102, %select_n3A_108 : i32
    %min3A = arith.constant 15 : i32
    %min3A_110 = arith.minsi %add3A_109, %min3A : i32
    %c0_i32 = arith.constant 0 : i32
    %c0_i32_111 = arith.constant 0 : i32
    %c0_i32_112 = arith.constant 0 : i32
    return %min3A_110, %c0_i32, %c0_i32_111 : i32, i32, i32
  }
  func.func @transform_2(%arg0: i32, %arg1: memref<64xi32, #tpu.memory_space<smem>>, %arg2: memref<16xi32, #tpu.memory_space<smem>>) -> (i32, i32, i32) {
    %get3A = arith.index_cast %arg0 : i32 to index
    %get3A_0 = memref.load %arg1[%get3A] : memref<64xi32, #tpu.memory_space<smem>>
    %get3A_1 = arith.constant 0 : index
    %get3A_2 = memref.load %arg2[%get3A_1] : memref<16xi32, #tpu.memory_space<smem>>
    %le3A = arith.cmpi sle, %get3A_2, %get3A_0 : i32
    %jit3A = arith.constant 1 : i32
    %jit3A_3 = arith.constant 0 : i32
    %select_n3A = arith.select %le3A, %jit3A, %jit3A_3 : i32
    %add3A = arith.constant 0 : i32
    %add3A_4 = arith.addi %add3A, %select_n3A : i32
    %get3A_5 = arith.constant 1 : index
    %get3A_6 = memref.load %arg2[%get3A_5] : memref<16xi32, #tpu.memory_space<smem>>
    %le3A_7 = arith.cmpi sle, %get3A_6, %get3A_0 : i32
    %jit3A_8 = arith.constant 1 : i32
    %jit3A_9 = arith.constant 0 : i32
    %select_n3A_10 = arith.select %le3A_7, %jit3A_8, %jit3A_9 : i32
    %add3A_11 = arith.addi %add3A_4, %select_n3A_10 : i32
    %get3A_12 = arith.constant 2 : index
    %get3A_13 = memref.load %arg2[%get3A_12] : memref<16xi32, #tpu.memory_space<smem>>
    %le3A_14 = arith.cmpi sle, %get3A_13, %get3A_0 : i32
    %jit3A_15 = arith.constant 1 : i32
    %jit3A_16 = arith.constant 0 : i32
    %select_n3A_17 = arith.select %le3A_14, %jit3A_15, %jit3A_16 : i32
    %add3A_18 = arith.addi %add3A_11, %select_n3A_17 : i32
    %get3A_19 = arith.constant 3 : index
    %get3A_20 = memref.load %arg2[%get3A_19] : memref<16xi32, #tpu.memory_space<smem>>
    %le3A_21 = arith.cmpi sle, %get3A_20, %get3A_0 : i32
    %jit3A_22 = arith.constant 1 : i32
    %jit3A_23 = arith.constant 0 : i32
    %select_n3A_24 = arith.select %le3A_21, %jit3A_22, %jit3A_23 : i32
    %add3A_25 = arith.addi %add3A_18, %select_n3A_24 : i32
    %get3A_26 = arith.constant 4 : index
    %get3A_27 = memref.load %arg2[%get3A_26] : memref<16xi32, #tpu.memory_space<smem>>
    %le3A_28 = arith.cmpi sle, %get3A_27, %get3A_0 : i32
    %jit3A_29 = arith.constant 1 : i32
    %jit3A_30 = arith.constant 0 : i32
    %select_n3A_31 = arith.select %le3A_28, %jit3A_29, %jit3A_30 : i32
    %add3A_32 = arith.addi %add3A_25, %select_n3A_31 : i32
    %get3A_33 = arith.constant 5 : index
    %get3A_34 = memref.load %arg2[%get3A_33] : memref<16xi32, #tpu.memory_space<smem>>
    %le3A_35 = arith.cmpi sle, %get3A_34, %get3A_0 : i32
    %jit3A_36 = arith.constant 1 : i32
    %jit3A_37 = arith.constant 0 : i32
    %select_n3A_38 = arith.select %le3A_35, %jit3A_36, %jit3A_37 : i32
    %add3A_39 = arith.addi %add3A_32, %select_n3A_38 : i32
    %get3A_40 = arith.constant 6 : index
    %get3A_41 = memref.load %arg2[%get3A_40] : memref<16xi32, #tpu.memory_space<smem>>
    %le3A_42 = arith.cmpi sle, %get3A_41, %get3A_0 : i32
    %jit3A_43 = arith.constant 1 : i32
    %jit3A_44 = arith.constant 0 : i32
    %select_n3A_45 = arith.select %le3A_42, %jit3A_43, %jit3A_44 : i32
    %add3A_46 = arith.addi %add3A_39, %select_n3A_45 : i32
    %get3A_47 = arith.constant 7 : index
    %get3A_48 = memref.load %arg2[%get3A_47] : memref<16xi32, #tpu.memory_space<smem>>
    %le3A_49 = arith.cmpi sle, %get3A_48, %get3A_0 : i32
    %jit3A_50 = arith.constant 1 : i32
    %jit3A_51 = arith.constant 0 : i32
    %select_n3A_52 = arith.select %le3A_49, %jit3A_50, %jit3A_51 : i32
    %add3A_53 = arith.addi %add3A_46, %select_n3A_52 : i32
    %get3A_54 = arith.constant 8 : index
    %get3A_55 = memref.load %arg2[%get3A_54] : memref<16xi32, #tpu.memory_space<smem>>
    %le3A_56 = arith.cmpi sle, %get3A_55, %get3A_0 : i32
    %jit3A_57 = arith.constant 1 : i32
    %jit3A_58 = arith.constant 0 : i32
    %select_n3A_59 = arith.select %le3A_56, %jit3A_57, %jit3A_58 : i32
    %add3A_60 = arith.addi %add3A_53, %select_n3A_59 : i32
    %get3A_61 = arith.constant 9 : index
    %get3A_62 = memref.load %arg2[%get3A_61] : memref<16xi32, #tpu.memory_space<smem>>
    %le3A_63 = arith.cmpi sle, %get3A_62, %get3A_0 : i32
    %jit3A_64 = arith.constant 1 : i32
    %jit3A_65 = arith.constant 0 : i32
    %select_n3A_66 = arith.select %le3A_63, %jit3A_64, %jit3A_65 : i32
    %add3A_67 = arith.addi %add3A_60, %select_n3A_66 : i32
    %get3A_68 = arith.constant 10 : index
    %get3A_69 = memref.load %arg2[%get3A_68] : memref<16xi32, #tpu.memory_space<smem>>
    %le3A_70 = arith.cmpi sle, %get3A_69, %get3A_0 : i32
    %jit3A_71 = arith.constant 1 : i32
    %jit3A_72 = arith.constant 0 : i32
    %select_n3A_73 = arith.select %le3A_70, %jit3A_71, %jit3A_72 : i32
    %add3A_74 = arith.addi %add3A_67, %select_n3A_73 : i32
    %get3A_75 = arith.constant 11 : index
    %get3A_76 = memref.load %arg2[%get3A_75] : memref<16xi32, #tpu.memory_space<smem>>
    %le3A_77 = arith.cmpi sle, %get3A_76, %get3A_0 : i32
    %jit3A_78 = arith.constant 1 : i32
    %jit3A_79 = arith.constant 0 : i32
    %select_n3A_80 = arith.select %le3A_77, %jit3A_78, %jit3A_79 : i32
    %add3A_81 = arith.addi %add3A_74, %select_n3A_80 : i32
    %get3A_82 = arith.constant 12 : index
    %get3A_83 = memref.load %arg2[%get3A_82] : memref<16xi32, #tpu.memory_space<smem>>
    %le3A_84 = arith.cmpi sle, %get3A_83, %get3A_0 : i32
    %jit3A_85 = arith.constant 1 : i32
    %jit3A_86 = arith.constant 0 : i32
    %select_n3A_87 = arith.select %le3A_84, %jit3A_85, %jit3A_86 : i32
    %add3A_88 = arith.addi %add3A_81, %select_n3A_87 : i32
    %get3A_89 = arith.constant 13 : index
    %get3A_90 = memref.load %arg2[%get3A_89] : memref<16xi32, #tpu.memory_space<smem>>
    %le3A_91 = arith.cmpi sle, %get3A_90, %get3A_0 : i32
    %jit3A_92 = arith.constant 1 : i32
    %jit3A_93 = arith.constant 0 : i32
    %select_n3A_94 = arith.select %le3A_91, %jit3A_92, %jit3A_93 : i32
    %add3A_95 = arith.addi %add3A_88, %select_n3A_94 : i32
    %get3A_96 = arith.constant 14 : index
    %get3A_97 = memref.load %arg2[%get3A_96] : memref<16xi32, #tpu.memory_space<smem>>
    %le3A_98 = arith.cmpi sle, %get3A_97, %get3A_0 : i32
    %jit3A_99 = arith.constant 1 : i32
    %jit3A_100 = arith.constant 0 : i32
    %select_n3A_101 = arith.select %le3A_98, %jit3A_99, %jit3A_100 : i32
    %add3A_102 = arith.addi %add3A_95, %select_n3A_101 : i32
    %get3A_103 = arith.constant 15 : index
    %get3A_104 = memref.load %arg2[%get3A_103] : memref<16xi32, #tpu.memory_space<smem>>
    %le3A_105 = arith.cmpi sle, %get3A_104, %get3A_0 : i32
    %jit3A_106 = arith.constant 1 : i32
    %jit3A_107 = arith.constant 0 : i32
    %select_n3A_108 = arith.select %le3A_105, %jit3A_106, %jit3A_107 : i32
    %add3A_109 = arith.addi %add3A_102, %select_n3A_108 : i32
    %min3A = arith.constant 15 : i32
    %min3A_110 = arith.minsi %add3A_109, %min3A : i32
    %c0_i32 = arith.constant 0 : i32
    %c0_i32_111 = arith.constant 0 : i32
    %c0_i32_112 = arith.constant 0 : i32
    return %min3A_110, %c0_i32, %c0_i32_111 : i32, i32, i32
  }
  func.func @transform_3(%arg0: i32, %arg1: memref<64xi32, #tpu.memory_space<smem>>, %arg2: memref<16xi32, #tpu.memory_space<smem>>) -> (i32, i32, i32) {
    %get3A = arith.index_cast %arg0 : i32 to index
    %get3A_0 = memref.load %arg1[%get3A] : memref<64xi32, #tpu.memory_space<smem>>
    %get3A_1 = arith.constant 0 : index
    %get3A_2 = memref.load %arg2[%get3A_1] : memref<16xi32, #tpu.memory_space<smem>>
    %le3A = arith.cmpi sle, %get3A_2, %get3A_0 : i32
    %jit3A = arith.constant 1 : i32
    %jit3A_3 = arith.constant 0 : i32
    %select_n3A = arith.select %le3A, %jit3A, %jit3A_3 : i32
    %add3A = arith.constant 0 : i32
    %add3A_4 = arith.addi %add3A, %select_n3A : i32
    %get3A_5 = arith.constant 1 : index
    %get3A_6 = memref.load %arg2[%get3A_5] : memref<16xi32, #tpu.memory_space<smem>>
    %le3A_7 = arith.cmpi sle, %get3A_6, %get3A_0 : i32
    %jit3A_8 = arith.constant 1 : i32
    %jit3A_9 = arith.constant 0 : i32
    %select_n3A_10 = arith.select %le3A_7, %jit3A_8, %jit3A_9 : i32
    %add3A_11 = arith.addi %add3A_4, %select_n3A_10 : i32
    %get3A_12 = arith.constant 2 : index
    %get3A_13 = memref.load %arg2[%get3A_12] : memref<16xi32, #tpu.memory_space<smem>>
    %le3A_14 = arith.cmpi sle, %get3A_13, %get3A_0 : i32
    %jit3A_15 = arith.constant 1 : i32
    %jit3A_16 = arith.constant 0 : i32
    %select_n3A_17 = arith.select %le3A_14, %jit3A_15, %jit3A_16 : i32
    %add3A_18 = arith.addi %add3A_11, %select_n3A_17 : i32
    %get3A_19 = arith.constant 3 : index
    %get3A_20 = memref.load %arg2[%get3A_19] : memref<16xi32, #tpu.memory_space<smem>>
    %le3A_21 = arith.cmpi sle, %get3A_20, %get3A_0 : i32
    %jit3A_22 = arith.constant 1 : i32
    %jit3A_23 = arith.constant 0 : i32
    %select_n3A_24 = arith.select %le3A_21, %jit3A_22, %jit3A_23 : i32
    %add3A_25 = arith.addi %add3A_18, %select_n3A_24 : i32
    %get3A_26 = arith.constant 4 : index
    %get3A_27 = memref.load %arg2[%get3A_26] : memref<16xi32, #tpu.memory_space<smem>>
    %le3A_28 = arith.cmpi sle, %get3A_27, %get3A_0 : i32
    %jit3A_29 = arith.constant 1 : i32
    %jit3A_30 = arith.constant 0 : i32
    %select_n3A_31 = arith.select %le3A_28, %jit3A_29, %jit3A_30 : i32
    %add3A_32 = arith.addi %add3A_25, %select_n3A_31 : i32
    %get3A_33 = arith.constant 5 : index
    %get3A_34 = memref.load %arg2[%get3A_33] : memref<16xi32, #tpu.memory_space<smem>>
    %le3A_35 = arith.cmpi sle, %get3A_34, %get3A_0 : i32
    %jit3A_36 = arith.constant 1 : i32
    %jit3A_37 = arith.constant 0 : i32
    %select_n3A_38 = arith.select %le3A_35, %jit3A_36, %jit3A_37 : i32
    %add3A_39 = arith.addi %add3A_32, %select_n3A_38 : i32
    %get3A_40 = arith.constant 6 : index
    %get3A_41 = memref.load %arg2[%get3A_40] : memref<16xi32, #tpu.memory_space<smem>>
    %le3A_42 = arith.cmpi sle, %get3A_41, %get3A_0 : i32
    %jit3A_43 = arith.constant 1 : i32
    %jit3A_44 = arith.constant 0 : i32
    %select_n3A_45 = arith.select %le3A_42, %jit3A_43, %jit3A_44 : i32
    %add3A_46 = arith.addi %add3A_39, %select_n3A_45 : i32
    %get3A_47 = arith.constant 7 : index
    %get3A_48 = memref.load %arg2[%get3A_47] : memref<16xi32, #tpu.memory_space<smem>>
    %le3A_49 = arith.cmpi sle, %get3A_48, %get3A_0 : i32
    %jit3A_50 = arith.constant 1 : i32
    %jit3A_51 = arith.constant 0 : i32
    %select_n3A_52 = arith.select %le3A_49, %jit3A_50, %jit3A_51 : i32
    %add3A_53 = arith.addi %add3A_46, %select_n3A_52 : i32
    %get3A_54 = arith.constant 8 : index
    %get3A_55 = memref.load %arg2[%get3A_54] : memref<16xi32, #tpu.memory_space<smem>>
    %le3A_56 = arith.cmpi sle, %get3A_55, %get3A_0 : i32
    %jit3A_57 = arith.constant 1 : i32
    %jit3A_58 = arith.constant 0 : i32
    %select_n3A_59 = arith.select %le3A_56, %jit3A_57, %jit3A_58 : i32
    %add3A_60 = arith.addi %add3A_53, %select_n3A_59 : i32
    %get3A_61 = arith.constant 9 : index
    %get3A_62 = memref.load %arg2[%get3A_61] : memref<16xi32, #tpu.memory_space<smem>>
    %le3A_63 = arith.cmpi sle, %get3A_62, %get3A_0 : i32
    %jit3A_64 = arith.constant 1 : i32
    %jit3A_65 = arith.constant 0 : i32
    %select_n3A_66 = arith.select %le3A_63, %jit3A_64, %jit3A_65 : i32
    %add3A_67 = arith.addi %add3A_60, %select_n3A_66 : i32
    %get3A_68 = arith.constant 10 : index
    %get3A_69 = memref.load %arg2[%get3A_68] : memref<16xi32, #tpu.memory_space<smem>>
    %le3A_70 = arith.cmpi sle, %get3A_69, %get3A_0 : i32
    %jit3A_71 = arith.constant 1 : i32
    %jit3A_72 = arith.constant 0 : i32
    %select_n3A_73 = arith.select %le3A_70, %jit3A_71, %jit3A_72 : i32
    %add3A_74 = arith.addi %add3A_67, %select_n3A_73 : i32
    %get3A_75 = arith.constant 11 : index
    %get3A_76 = memref.load %arg2[%get3A_75] : memref<16xi32, #tpu.memory_space<smem>>
    %le3A_77 = arith.cmpi sle, %get3A_76, %get3A_0 : i32
    %jit3A_78 = arith.constant 1 : i32
    %jit3A_79 = arith.constant 0 : i32
    %select_n3A_80 = arith.select %le3A_77, %jit3A_78, %jit3A_79 : i32
    %add3A_81 = arith.addi %add3A_74, %select_n3A_80 : i32
    %get3A_82 = arith.constant 12 : index
    %get3A_83 = memref.load %arg2[%get3A_82] : memref<16xi32, #tpu.memory_space<smem>>
    %le3A_84 = arith.cmpi sle, %get3A_83, %get3A_0 : i32
    %jit3A_85 = arith.constant 1 : i32
    %jit3A_86 = arith.constant 0 : i32
    %select_n3A_87 = arith.select %le3A_84, %jit3A_85, %jit3A_86 : i32
    %add3A_88 = arith.addi %add3A_81, %select_n3A_87 : i32
    %get3A_89 = arith.constant 13 : index
    %get3A_90 = memref.load %arg2[%get3A_89] : memref<16xi32, #tpu.memory_space<smem>>
    %le3A_91 = arith.cmpi sle, %get3A_90, %get3A_0 : i32
    %jit3A_92 = arith.constant 1 : i32
    %jit3A_93 = arith.constant 0 : i32
    %select_n3A_94 = arith.select %le3A_91, %jit3A_92, %jit3A_93 : i32
    %add3A_95 = arith.addi %add3A_88, %select_n3A_94 : i32
    %get3A_96 = arith.constant 14 : index
    %get3A_97 = memref.load %arg2[%get3A_96] : memref<16xi32, #tpu.memory_space<smem>>
    %le3A_98 = arith.cmpi sle, %get3A_97, %get3A_0 : i32
    %jit3A_99 = arith.constant 1 : i32
    %jit3A_100 = arith.constant 0 : i32
    %select_n3A_101 = arith.select %le3A_98, %jit3A_99, %jit3A_100 : i32
    %add3A_102 = arith.addi %add3A_95, %select_n3A_101 : i32
    %get3A_103 = arith.constant 15 : index
    %get3A_104 = memref.load %arg2[%get3A_103] : memref<16xi32, #tpu.memory_space<smem>>
    %le3A_105 = arith.cmpi sle, %get3A_104, %get3A_0 : i32
    %jit3A_106 = arith.constant 1 : i32
    %jit3A_107 = arith.constant 0 : i32
    %select_n3A_108 = arith.select %le3A_105, %jit3A_106, %jit3A_107 : i32
    %add3A_109 = arith.addi %add3A_102, %select_n3A_108 : i32
    %min3A = arith.constant 15 : i32
    %min3A_110 = arith.minsi %add3A_109, %min3A : i32
    %c0_i32 = arith.constant 0 : i32
    %c0_i32_111 = arith.constant 0 : i32
    %c0_i32_112 = arith.constant 0 : i32
    return %min3A_110, %c0_i32, %c0_i32_111 : i32, i32, i32
  }
  func.func @transform_4(%arg0: i32, %arg1: memref<64xi32, #tpu.memory_space<smem>>, %arg2: memref<16xi32, #tpu.memory_space<smem>>) -> (i32, i32) {
    %get3A = arith.index_cast %arg0 : i32 to index
    %get3A_0 = memref.load %arg1[%get3A] : memref<64xi32, #tpu.memory_space<smem>>
    %jit3A = arith.constant 256 : i32
    %div3A = arith.divsi %get3A_0, %jit3A : i32
    %sign3A = arith.constant 0 : i32
    %sign3A_1 = arith.cmpi sgt, %get3A_0, %sign3A : i32
    %sign3A_2 = arith.extui %sign3A_1 : i1 to i32
    %sign3A_3 = arith.constant 0 : i32
    %sign3A_4 = arith.cmpi slt, %get3A_0, %sign3A_3 : i32
    %sign3A_5 = arith.extui %sign3A_4 : i1 to i32
    %sign3A_6 = arith.subi %sign3A_2, %sign3A_5 : i32
    %sign3A_7 = arith.constant 0 : i32
    %sign3A_8 = arith.cmpi sgt, %jit3A, %sign3A_7 : i32
    %sign3A_9 = arith.extui %sign3A_8 : i1 to i32
    %sign3A_10 = arith.constant 0 : i32
    %sign3A_11 = arith.cmpi slt, %jit3A, %sign3A_10 : i32
    %sign3A_12 = arith.extui %sign3A_11 : i1 to i32
    %sign3A_13 = arith.subi %sign3A_9, %sign3A_12 : i32
    %ne3A = arith.cmpi ne, %sign3A_6, %sign3A_13 : i32
    %rem3A = arith.remsi %get3A_0, %jit3A : i32
    %ne3A_14 = arith.constant 0 : i32
    %ne3A_15 = arith.cmpi ne, %rem3A, %ne3A_14 : i32
    %and3A = arith.andi %ne3A, %ne3A_15 : i1
    %sub3A = arith.constant 1 : i32
    %sub3A_16 = arith.subi %div3A, %sub3A : i32
    %select_n3A = arith.select %and3A, %sub3A_16, %div3A : i32
    %min3A = arith.constant 7 : i32
    %min3A_17 = arith.minsi %select_n3A, %min3A : i32
    %c0_i32 = arith.constant 0 : i32
    %c0_i32_18 = arith.constant 0 : i32
    return %min3A_17, %c0_i32 : i32, i32
  }
}

</mosaic_0001>

<sc_bundles>
// kernel: kernel.10.cloned.1.call-start
scs
__scs_entry_jumppad:
0x0: {  	(pc) =	sbr.rel $0x88, $3  }
0x1: {  	(tag) =	ssettag $0x0;
	lr =	simm.s32 $0x1  }
0x2: {  	[smem:$0x3F99] =	sst lr;
	_ =	strace $0xD0000000  }
0x3: {  	_ = 	snop  }
0x4: {  	_ = 	snop  }
0x5: {  	_ = 	snop  }
0x6: {  	_ = 	snop  }
0x7: {  	_ = 	snop  }
__scs_overlays_trampoline_lowered:
0x8: {  	[smem:$0x3FA8] =	sst s0  }
0x9: {  	[smem:$0x3FA9] =	sst s1  }
0xa: {  	[smem:$0x3FAA] =	sst s2  }
0xb: {  	[smem:$0x3FAB] =	sst s3  }
0xc: {  	[smem:$0x3FAC] =	sst s4  }
0xd: {  	[smem:$0x3FAD] =	sst s5  }
0xe: {  	[smem:$0x3FAE] =	sst s6  }
0xf: {  	[smem:$0x3FAF] =	sst s7  }
0x10: {  	[smem:$0x3FB0] =	sst s8  }
0x11: {  	[smem:$0x3FB1] =	sst s9;
	s0 =	simm.s32 @!p0 $0x0  }
0x12: {  	s1 =	sld [smem:$0x3F97];
	s0 =	simm.s32 @p0 $0x1  }
0x13: {  	[smem:$0x3FB2] =	sst s0;
	s0 =	simm.s32 @!p1 $0x0  }
0x14: {  	s2 =	sld [smem:$0x3F96];
	s0 =	simm.s32 @p1 $0x1  }
0x15: {  	[smem:$0x3FB3] =	sst s0;
	s0 =	simm.s32 @!p2 $0x0  }
0x16: {  	s3 =	sld [smem:$0x3FDB];
	s0 =	simm.s32 @p2 $0x1  }
0x17: {  	s4 =	simm.s32 $0x1BF5;
	[smem:$0x3FB5] =	sst s0  }
0x18: {  	s0 =	sld [smem:$0x3F98];
	_ =	swait.ge [sflag:s4], $0x0  }
0x19: {  	s7 =	sld [smem:$0x3F99]  }
0x1a: {  	s8 =	sadd.s32 $0xFFFFE003, lr  }
0x1b: {  	s9 =	sadd.s32 $0xFFFFFEF7, lr;
	s5 =	simm.s32 $0xFFFFFFFF;
	p2 =	slt.u32 s8, $0xFFFFF086  }
0x1c: {  	p1 =	slt.u32 s9, $0xF7A;
	s5 =	simm.s32 @!p2 $0x0  }
0x1d: {  	s5 =	simm.s32 @p1 $0x1;
	p0 =	seq.s32 s7, s2  }
0x1e: {  	s7 =	smul.u32 @!p0 $0xF7A, s2;
	p2 =	seq.s32 @!p0 s5, $0x0  }
0x1f: {  	s9 =	smul.u32 $0xF7A, s1;
	s8 =	simm.s32 @!p0 $0x1BF5;
	p2 =	por !p2, p0  }
0x20: {  	[sflag:s8] =	ssyncset.s32 @!p0 $0xFFFFF086;
	s6 =	sadd.s32 @!p0 s3, s7;
	s7 =	simm.s32 @!p0 $0x108  }
0x21: {  	s3 =	sadd.s32 s3, s9;
	s6 =	sadd.s32 @!p0 $0x88, s6;
	s7 =	simm.s32 @p2 $0x1082  }
0x22: {  	[simem:s7], [sflag:s8] =	dma.local @!p0 [hbm:s6], $0xF7A  }
0x23: {  	s9 =	sor.u32 $0xD0000000, s2;
	s6 =	simm.s32 $0x108;
	_ =	swait.ge @!p0 [sflag:s8], $0x0  }
0x24: {  	s3 =	sadd.s32 $0x88, s3;
	s6 =	simm.s32 @!p1 $0x1082;
	[sflag:s4] =	ssyncset.s32 $0xFFFFF086  }
0x25: {  	[simem:s6], [sflag:s4] =	dma.local [hbm:s3], $0xF7A  }
0x26: {  	[smem:$0x3F99] =	sst s1;
	(tag) =	ssettag s2;
	_ =	strace s9  }
0x27: {  	s1 =	sld [smem:$0x3FA9]  }
0x28: {  	s2 =	sld [smem:$0x3FAA]  }
0x29: {  	s4 =	sld [smem:$0x3FAC]  }
0x2a: {  	p0 =	seq.s32 s5, $0x0;
	s5 =	sld [smem:$0x3FAD]  }
0x2b: {  	s6 =	sld [smem:$0x3FAE]  }
0x2c: {  	s7 =	sld [smem:$0x3FAF]  }
0x2d: {  	s3 =	simm.s32 $0x108;
	s8 =	sld [smem:$0x3FB0]  }
0x2e: {  	s3 =	simm.s32 @!p0 $0x1082;
	s9 =	sld [smem:$0x3FB1]  }
0x2f: {  	lr =	sadd.s32 s0, s3;
	s0 =	sld [smem:$0x3FA8]  }
0x30: {  	s3 =	sld [smem:$0x3FAB]  }
0x31: {  	[smem:$0x3FB4] =	sst s10  }
0x32: {  	s10 =	sld [smem:$0x3FB2];
	_ =	sdelay $0x3  }
0x33: {  	p0 =	seq.s32 s10, $0x1;
	s10 =	sld [smem:$0x3FB4];
	_ =	sdelay $0x3  }
0x34: {  	[smem:$0x3FB4] =	sst s10  }
0x35: {  	s10 =	sld [smem:$0x3FB3];
	_ =	sdelay $0x3  }
0x36: {  	p1 =	seq.s32 s10, $0x1;
	s10 =	sld [smem:$0x3FB4];
	_ =	sdelay $0x3  }
0x37: {  	[smem:$0x3FB4] =	sst s10  }
0x38: {  	s10 =	sld [smem:$0x3FB5]  }
0x39: {  	_ = 	snop;
	(pc) =	sbr.ind lr, $3  }
0x3a: {  	_ = 	snop  }
0x3b: {  	_ = 	snop  }
0x3c: {  	p2 =	seq.s32 s10, $0x1;
	s10 =	sld [smem:$0x3FB4]  }
0x3d: {  	_ =	shalt  }
0x3e: {  	_ =	shalt  }
0x3f: {  	_ =	shalt  }
0x40: {  	_ =	shalt  }
0x41: {  	_ =	shalt  }
0x42: {  	_ =	shalt  }
0x43: {  	_ =	shalt  }
0x44: {  	_ =	shalt  }
0x45: {  	_ =	shalt  }
0x46: {  	_ =	shalt  }
0x47: {  	_ =	shalt  }
0x48: {  	_ =	shalt  }
0x49: {  	_ =	shalt  }
0x4a: {  	_ =	shalt  }
0x4b: {  	_ =	shalt  }
0x4c: {  	_ =	shalt  }
0x4d: {  	_ =	shalt  }
0x4e: {  	_ =	shalt  }
0x4f: {  	_ =	shalt  }
0x50: {  	_ =	shalt  }
0x51: {  	_ =	shalt  }
0x52: {  	_ =	shalt  }
0x53: {  	_ =	shalt  }
0x54: {  	_ =	shalt  }
0x55: {  	_ =	shalt  }
0x56: {  	_ =	shalt  }
0x57: {  	_ =	shalt  }
0x58: {  	_ =	shalt  }
0x59: {  	_ =	shalt  }
0x5a: {  	_ =	shalt  }
0x5b: {  	_ =	shalt  }
0x5c: {  	_ =	shalt  }
0x5d: {  	_ =	shalt  }
0x5e: {  	_ =	shalt  }
0x5f: {  	_ =	shalt  }
0x60: {  	_ =	shalt  }
0x61: {  	_ =	shalt  }
0x62: {  	_ =	shalt  }
0x63: {  	_ =	shalt  }
0x64: {  	_ =	shalt  }
0x65: {  	_ =	shalt  }
0x66: {  	_ =	shalt  }
0x67: {  	_ =	shalt  }
0x68: {  	_ =	shalt  }
0x69: {  	_ =	shalt  }
0x6a: {  	_ =	shalt  }
0x6b: {  	_ =	shalt  }
0x6c: {  	_ =	shalt  }
0x6d: {  	_ =	shalt  }
0x6e: {  	_ =	shalt  }
0x6f: {  	_ =	shalt  }
0x70: {  	_ =	shalt  }
0x71: {  	_ =	shalt  }
0x72: {  	_ =	shalt  }
0x73: {  	_ =	shalt  }
0x74: {  	_ =	shalt  }
0x75: {  	_ =	shalt  }
0x76: {  	_ =	shalt  }
0x77: {  	_ =	shalt  }
0x78: {  	_ =	shalt  }
0x79: {  	_ =	shalt  }
0x7a: {  	_ =	shalt  }
0x7b: {  	_ =	shalt  }
0x7c: {  	_ =	shalt  }
0x7d: {  	_ =	shalt  }
0x7e: {  	_ =	shalt  }
0x7f: {  	_ =	shalt  }
0x80: {  	_ =	shalt  }
0x81: {  	_ =	shalt  }
0x82: {  	_ =	shalt  }
0x83: {  	_ =	shalt  }
0x84: {  	_ =	shalt  }
0x85: {  	_ =	shalt  }
0x86: {  	_ =	shalt  }
0x87: {  	_ =	shalt  }
.Lfunc_end0:
.L_simem_size_0:
called_computation.1_lowered:
.L_overlay_start_0:
0x88: {  	s2 =	sld [smem:$0x3FD9]  }
0x89: {  	s3 =	sld [smem:$0x3FFE];
	_ =	sdelay $0x1  }
0x8a: {  	s1 =	srdreg.scid  }
0x8b: {  	s0 =	sand.u32 $0x1, s1  }
0x8c: {  	s17 =	sshll.u32 s0, $0xA;
	s2 =	sadd.s32 s3, s2  }
0x8d: {  	s2 =	sadd.s32 s2, s17  }
0x8e: {  	[smem:$0x3FC0] =	sst s2  }
0x8f: {  	_ = 	snop  }
0x90: {  	s2 =	sld [smem:$0x3FD0];
	(tm) =	ssettm $0x1  }
0x91: {  	s18 =	sld [smem:$0x3FFB];
	_ =	sdelay $0x3  }
0x92: {  	_ =	strace s18  }
0x93: {  	s3 =	sld [smem:$0x3FFC];
	_ =	sdelay $0x3  }
0x94: {  	_ =	strace s3  }
0x95: {  	s3 =	sld [smem:$0x3FFD];
	_ =	sdelay $0x3  }
0x96: {  	_ =	strace s3  }
0x97: {  	_ =	strace $0x8FFFFFFF  }
0x98: {  	s19 =	sld [smem:$0x3FDB];
	_ =	sdelay $0x1  }
0x99: {  	s4 =	simm.s32 $_scs_section_size  }
0x9a: {  	s5 =	simm.s32 $_size__tile_overlayer_lowered;
	s6 =	simm.s32 $_tile_overlayer_lowered  }
0x9b: {  	s22 =	simm.s32 $0x1BFF;
	s21 =	sshll.u32 s6, $0x1;
	s3 =	sadd.s32 s4, s19  }
0x9c: {  	s7 =	simm.s32 $0x0;
	s20 =	sshll.u32 s5, $0x1;
	s5 =	sadd.s32 s21, s3  }
0x9d: {  	[timem:s7], [sflag:s22] =	dma.local [hbm:s5], s20  }
0x9e: {  	_ =	swait.ge [sflag:s22], s20  }
0x9f: {  	s4 =	ssub.s32 $0x0, s20;
	[sflag:s22] =	ssyncset.done $0x0  }
0xa0: {  	[sflag:s22] =	ssyncadd.s32 s4;
	_ =	sdelay $0x1  }
0xa1: {  	s23 =	simm.s32 $0x1B8B  }
0xa2: {  	_ =	swait.ge [sflag:s23], $0x1  }
0xa3: {  	[sflag:s23] =	ssyncset.done $0x0  }
0xa4: {  	s25 =	simm.s32 $0x1B8E;
	s24 =	sld [smem:$0x3FFE];
	[sflag:s23] =	ssyncadd.s32 $0xFFFFFFFF  }
0xa5: {  	s26 =	simm.s32 $execute0_lowered;
	[smem:$0x3FD2] =	sst s25  }
0xa6: {  	s5 =	sshll.u32 s26, $0x1;
	_ =	strace $0x80000049;
	[dreg:$0x1] =	wrdreg $0xFFFFFFFF  }
0xa7: {  	s28 =	simm.s32 $_size_execute0_lowered;
	s3 =	sadd.s32 s3, s5;
	[dreg:$0x0] =	wrdreg $0x0  }
0xa8: {  	s5 =	sshll.u32 s28, $0x1;
	[dreg:$0x2] =	wrdreg s3  }
0xa9: {  	[dreg:$0x3] =	wrdreg s5  }
0xaa: {  	[dreg:$0x4] =	wrdreg $0xC0  }
0xab: {  	_ =	task [dreg:s7], $0x5FFFF  }
0xac: {  	[dreg:$0x1] =	wrdreg $0xFFFFFFFF  }
0xad: {  	[dreg:$0x0] =	wrdreg $0x60  }
0xae: {  	[dreg:$0x2] =	wrdreg s24  }
0xaf: {  	[dreg:$0x3] =	wrdreg s2  }
0xb0: {  	[dreg:$0x4] =	wrdreg $0x9  }
0xb1: {  	_ =	task.clear_ibuf [dreg:s7], $0x5FFFF;
	_ =	strace $0x90000049  }
0xb2: {  	s29 =	simm.s32 $0x9;
	_ =	strace $0x8000004B  }
0xb3: {  	_ =	swait.ge [sflag:s29], $0x1  }
0xb4: {  	[sflag:s29] =	ssyncadd.s32 $0xFFFFFFFF  }
0xb5: {  	_ =	strace $0x9000004B  }
0xb6: {  	_ =	sfence  }
0xb7: {  	s30 =	sld [smem:$0x0];
	_ =	sdelay $0x2  }
0xb8: {  	s31 =	sshll.u32 s1, $0xD;
	s1 =	sshrl.u32 s1, $0x2  }
0xb9: {  	s3 =	sand.u32 $0x4000, s31;
	s1 =	sadd.s32 s1, s30  }
0xba: {  	s0 =	sor.u32 s3, s0;
	s1 =	sshll.u32 s1, $0x11  }
0xbb: {  	s0 =	sor.u32 s1, s0  }
0xbc: {  	s0 =	sadd.s32 $0x8F2B, s0  }
0xbd: {  	[sflag:s0] =	ssyncadd.remote.s32 $0x1  }
0xbe: {  	_ =	sfence.sel $0xFFFF  }
0xbf: {  	[dreg:$0x0] =	wrdreg $0xFFFFFFFF;
	(pc) =	sbr.abs _section_cstart, $3  }
0xc0: {  	[dreg:$0x1] =	wrdreg $0xFFFFFFFF  }
0xc1: {  	_ =	task.clear_ibuf [dreg:s7], $0x2FFFF;
	_ =	strace $0x9FFFFFFF  }
0xc2: {  	(tm) =	ssettm $0x7FFFFFFF  }
0xc3: {  	_ =	shalt  }
tec
execute0_lowered:
.L_overlay_start_1:
0x0: {  	(tag) =	ssettag $0x1  }
0x1: {  	s1 =	srdreg.scid  }
0x2: {  	s0 =	stileid.u32;
	s4 =	rddreg [dreg:$0x0]  }
0x3: {  	s2 =	rddreg [dreg:$0x1];
	s18 =	simm.s32 $0x880;
	s19 =	simm.s32 $0x1080  }
0x4: {  	s20 =	simm.s32 $0x1880;
	s22 =	simm.s32 $0x2080;
	s23 =	simm.s32 $0x2880  }
0x5: {  	s24 =	simm.s32 $0x3080;
	s7 =	simm.s32 $0x3880;
	s8 =	simm.s32 $0x4080  }
0x6: {  	s25 =	simm.s32 $0x4880;
	s26 =	simm.s32 $0x5080;
	s1 =	sand.u32 $0x1, s1  }
0x7: {  	s9 =	simm.s32 $0x80;
	s3 =	sshll.u32 s0, $0x7;
	s5 =	sshll.u32 s1, $0x6  }
0x8: {  	s11 =	simm.s32 $0x6080;
	s5 =	sor.u32 s5, s3;
	s3 =	simm.s32 $0x0  }
0x9: {  	s12 =	simm.s32 $0x6880;
	s13 =	simm.s32 $0x7080;
	[smem:$0x7FF] =	sst s3  }
0xa: {  	s14 =	simm.s32 $0x7880;
	_ =	strace $0x8000004A;
	[dreg:$0x5] =	wrdreg s18  }
0xb: {  	s15 =	simm.s32 $0x8080;
	s16 =	simm.s32 $0x8880;
	[dreg:$0x6] =	wrdreg s19  }
0xc: {  	s28 =	simm.s32 $0xE080;
	s29 =	simm.s32 $0xE880;
	[dreg:$0x7] =	wrdreg s20  }
0xd: {  	s30 =	simm.s32 $0xF080;
	s1 =	ssub.s32 $0x2, s1;
	[dreg:$0x8] =	wrdreg s22  }
0xe: {  	s31 =	simm.s32 $0xF880;
	s21 =	sshrl.u32 s1, $0x1;
	[dreg:$0x9] =	wrdreg s23  }
0xf: {  	s6 =	sshrl.u32 s5, $0x3;
	s5 =	sshll.u32 s5, $0x7;
	[dreg:$0xa] =	wrdreg s24  }
0x10: {  	s1 =	ssub.s32 s1, s21;
	s21 =	simm.s32 $0xB080;
	[dreg:$0xb] =	wrdreg s7  }
0x11: {  	s6 =	sadd.s32 s6, s4;
	s4 =	sadd.s32 s5, s4;
	[dreg:$0xc] =	wrdreg s8  }
0x12: {  	s5 =	sadd.s32 $0x200, s2;
	s7 =	smax.u32 s1, $0x1;
	[dreg:$0xd] =	wrdreg s25  }
0x13: {  	s8 =	simm.s32 $0x2;
	[dreg:$0xe] =	wrdreg s26;
	s18 =	simm.s32 $0x9880  }
0x14: {  	s19 =	simm.s32 $0xA080;
	s20 =	simm.s32 $0xA880;
	s22 =	simm.s32 $0xB880  }
0x15: {  	s23 =	simm.s32 $0xC080;
	s24 =	simm.s32 $0xC880;
	s25 =	simm.s32 $0xD080  }
0x16: {  	v2 =	vlaneseq.u32;
	s26 =	simm.s32 $0xD880;
	s1 =	simm.s32 $0x1;
	s17 =	sadd.s32 $0x2200, s6  }
0x17: {  	vm0 =	vmmov $0xffff;
	v1 =	vshrl.u32 v2, $0x3;
	s4 =	sadd.s32 $0x2400, s4;
	s6 =	sadd.s32 $0x300, s2;
	[dreg:$0x3] =	wrdreg s17  }
0x18: {  	v0 =	vand.u32 $0x7, v2;
	v2 =	vor.u32 $0x8, v2;
	v1 =	vmul.u32 $0x8, v1;
	[dreg:$0x4] =	wrdreg s4;
	s4 =	sadd.s32 $0x100, s2;
	s17 =	simm.s32 $0x9080  }
.LBB2_1:
0x19: {  	s0 =	rddreg [dreg:$0x3]  }
0x1a: {  	[tilespmem:s3], [sflag:$0x2] =	stream.linear.gather [hbm4b:s0+s3], $0x40, $0x38;
	[tilespmem:$0x10080] =	vst v63  }
0x1b: {  	_ =	swait.ge [sflag:s8], $0x40  }
0x1c: {  	[sflag:s8] =	ssyncset.done $0x0  }
0x1d: {  	[sflag:s8] =	ssyncadd.s32 $0xFFFFFFC0  }
0x1e: {  	v3 =	vld [tilespmem:$0x0];
	_ =	sdelay $0x4  }
0x1f: {  	v4 =	vshll.u32 v3, $0x3  }
0x20: {  	v3 =	vand.u32 $0x7, v3;
	v4 =	vand.u32 $0xFFFFFFC0, v4  }
0x21: {  	v3 =	vor.u32 v3, v4  }
0x22: {  	v4 =	vperm.xlane v3, v0;
	_ =	sdelay $0x1  }
0x23: {  	v4 =	vadd.s32 v1, v4;
	_ =	sdelay $0x4  }
0x24: {  	[tilespmem:s9], [sflag:$0x1] =	stream.indirect_vreg.gather [hbm4b:s2+s3], $0x80, v4, vm0, $0xb8;
	[tilespmem:$0x10080] =	vst v63  }
0x25: {  	s0 =	rddreg [dreg:$0x5];
	v3 =	vperm.xlane v3, v2  }
0x26: {  	[tilespmem:s0], [sflag:$0x1] =	stream.indirect_vreg.gather [hbm4b:s4+s3], $0x80, v4, vm0, $0xb8;
	[tilespmem:$0x10080] =	vst v63  }
0x27: {  	s10 =	rddreg [dreg:$0x6];
	v3 =	vadd.s32 v1, v3  }
0x28: {  	[tilespmem:s10], [sflag:$0x1] =	stream.indirect_vreg.gather [hbm4b:s5+s3], $0x80, v4, vm0, $0xb8;
	[tilespmem:$0x10080] =	vst v63  }
0x29: {  	s0 =	rddreg [dreg:$0x7]  }
0x2a: {  	[tilespmem:s0], [sflag:$0x1] =	stream.indirect_vreg.gather [hbm4b:s6+s3], $0x80, v4, vm0, $0xb8;
	[tilespmem:$0x10080] =	vst v63  }
0x2b: {  	s10 =	rddreg [dreg:$0x8]  }
0x2c: {  	[tilespmem:s10], [sflag:$0x1] =	stream.indirect_vreg.gather [hbm4b:s2+s3], $0x80, v3, vm0, $0xb8;
	[tilespmem:$0x10080] =	vst v63  }
0x2d: {  	s0 =	rddreg [dreg:$0x9]  }
0x2e: {  	[tilespmem:s0], [sflag:$0x1] =	stream.indirect_vreg.gather [hbm4b:s4+s3], $0x80, v3, vm0, $0xb8;
	[tilespmem:$0x10080] =	vst v63  }
0x2f: {  	s10 =	rddreg [dreg:$0xa]  }
0x30: {  	[tilespmem:s10], [sflag:$0x1] =	stream.indirect_vreg.gather [hbm4b:s5+s3], $0x80, v3, vm0, $0xb8;
	[tilespmem:$0x10080] =	vst v63  }
0x31: {  	s0 =	rddreg [dreg:$0xb]  }
0x32: {  	[tilespmem:s0], [sflag:$0x1] =	stream.indirect_vreg.gather [hbm4b:s6+s3], $0x80, v3, vm0, $0xb8;
	[tilespmem:$0x10080] =	vst v63  }
0x33: {  	v3 =	vld [tilespmem:$0x10];
	_ =	sdelay $0x4  }
0x34: {  	v61 =	vshll.u32 v3, $0x3  }
0x35: {  	v3 =	vand.u32 $0x7, v3;
	v4 =	vand.u32 $0xFFFFFFC0, v61  }
0x36: {  	v3 =	vor.u32 v3, v4  }
0x37: {  	v4 =	vperm.xlane v3, v0;
	_ =	sdelay $0x1  }
0x38: {  	v4 =	vadd.s32 v1, v4;
	_ =	sdelay $0x3  }
0x39: {  	s0 =	rddreg [dreg:$0xc]  }
0x3a: {  	[tilespmem:s0], [sflag:$0x1] =	stream.indirect_vreg.gather [hbm4b:s2+s3], $0x80, v4, vm0, $0xb8;
	[tilespmem:$0x10080] =	vst v63  }
0x3b: {  	s10 =	rddreg [dreg:$0xd];
	v3 =	vperm.xlane v3, v2  }
0x3c: {  	[tilespmem:s10], [sflag:$0x1] =	stream.indirect_vreg.gather [hbm4b:s4+s3], $0x80, v4, vm0, $0xb8;
	[tilespmem:$0x10080] =	vst v63  }
0x3d: {  	v3 =	vadd.s32 v1, v3;
	s0 =	rddreg [dreg:$0xe]  }
0x3e: {  	[tilespmem:s0], [sflag:$0x1] =	stream.indirect_vreg.gather [hbm4b:s5+s3], $0x80, v4, vm0, $0xb8;
	[tilespmem:$0x10080] =	vst v63  }
0x3f: {  	s10 =	simm.s32 $0x5880  }
0x40: {  	[tilespmem:s10], [sflag:$0x1] =	stream.indirect_vreg.gather [hbm4b:s6+s3], $0x80, v4, vm0, $0xb8;
	[tilespmem:$0x10080] =	vst v63  }
0x41: {  	_ = 	snop  }
0x42: {  	[tilespmem:s11], [sflag:$0x1] =	stream.indirect_vreg.gather [hbm4b:s2+s3], $0x80, v3, vm0, $0xb8;
	[tilespmem:$0x10080] =	vst v63  }
0x43: {  	_ = 	snop  }
0x44: {  	[tilespmem:s12], [sflag:$0x1] =	stream.indirect_vreg.gather [hbm4b:s4+s3], $0x80, v3, vm0, $0xb8;
	[tilespmem:$0x10080] =	vst v63  }
0x45: {  	_ = 	snop  }
0x46: {  	[tilespmem:s13], [sflag:$0x1] =	stream.indirect_vreg.gather [hbm4b:s5+s3], $0x80, v3, vm0, $0xb8;
	[tilespmem:$0x10080] =	vst v63  }
0x47: {  	_ = 	snop  }
0x48: {  	[tilespmem:s14], [sflag:$0x1] =	stream.indirect_vreg.gather [hbm4b:s6+s3], $0x80, v3, vm0, $0xb8;
	[tilespmem:$0x10080] =	vst v63  }
0x49: {  	v3 =	vld [tilespmem:$0x20];
	_ =	sdelay $0x4  }
0x4a: {  	v62 =	vshll.u32 v3, $0x3  }
0x4b: {  	v3 =	vand.u32 $0x7, v3;
	v4 =	vand.u32 $0xFFFFFFC0, v62  }
0x4c: {  	v3 =	vor.u32 v3, v4  }
0x4d: {  	v4 =	vperm.xlane v3, v0;
	_ =	sdelay $0x1  }
0x4e: {  	v4 =	vadd.s32 v1, v4;
	_ =	sdelay $0x4  }
0x4f: {  	[tilespmem:s15], [sflag:$0x1] =	stream.indirect_vreg.gather [hbm4b:s2+s3], $0x80, v4, vm0, $0xb8;
	[tilespmem:$0x10080] =	vst v63  }
0x50: {  	v3 =	vperm.xlane v3, v2  }
0x51: {  	[tilespmem:s16], [sflag:$0x1] =	stream.indirect_vreg.gather [hbm4b:s4+s3], $0x80, v4, vm0, $0xb8;
	[tilespmem:$0x10080] =	vst v63  }
0x52: {  	v3 =	vadd.s32 v1, v3  }
0x53: {  	[tilespmem:s17], [sflag:$0x1] =	stream.indirect_vreg.gather [hbm4b:s5+s3], $0x80, v4, vm0, $0xb8;
	[tilespmem:$0x10080] =	vst v63  }
0x54: {  	_ = 	snop  }
0x55: {  	[tilespmem:s18], [sflag:$0x1] =	stream.indirect_vreg.gather [hbm4b:s6+s3], $0x80, v4, vm0, $0xb8;
	[tilespmem:$0x10080] =	vst v63  }
0x56: {  	_ = 	snop  }
0x57: {  	[tilespmem:s19], [sflag:$0x1] =	stream.indirect_vreg.gather [hbm4b:s2+s3], $0x80, v3, vm0, $0xb8;
	[tilespmem:$0x10080] =	vst v63  }
0x58: {  	_ = 	snop  }
0x59: {  	[tilespmem:s20], [sflag:$0x1] =	stream.indirect_vreg.gather [hbm4b:s4+s3], $0x80, v3, vm0, $0xb8;
	[tilespmem:$0x10080] =	vst v63  }
0x5a: {  	_ = 	snop  }
0x5b: {  	[tilespmem:s21], [sflag:$0x1] =	stream.indirect_vreg.gather [hbm4b:s5+s3], $0x80, v3, vm0, $0xb8;
	[tilespmem:$0x10080] =	vst v63  }
0x5c: {  	_ = 	snop  }
0x5d: {  	[tilespmem:s22], [sflag:$0x1] =	stream.indirect_vreg.gather [hbm4b:s6+s3], $0x80, v3, vm0, $0xb8;
	[tilespmem:$0x10080] =	vst v63  }
0x5e: {  	v3 =	vld [tilespmem:$0x30];
	_ =	sdelay $0x4  }
0x5f: {  	v63 =	vshll.u32 v3, $0x3  }
0x60: {  	v3 =	vand.u32 $0x7, v3;
	v4 =	vand.u32 $0xFFFFFFC0, v63  }
0x61: {  	v3 =	vor.u32 v3, v4  }
0x62: {  	v4 =	vperm.xlane v3, v0;
	_ =	sdelay $0x1  }
0x63: {  	v4 =	vadd.s32 v1, v4;
	_ =	sdelay $0x4  }
0x64: {  	[tilespmem:s23], [sflag:$0x1] =	stream.indirect_vreg.gather [hbm4b:s2+s3], $0x80, v4, vm0, $0xb8;
	[tilespmem:$0x10080] =	vst v63  }
0x65: {  	v3 =	vperm.xlane v3, v2  }
0x66: {  	[tilespmem:s24], [sflag:$0x1] =	stream.indirect_vreg.gather [hbm4b:s4+s3], $0x80, v4, vm0, $0xb8;
	[tilespmem:$0x10080] =	vst v63  }
0x67: {  	v3 =	vadd.s32 v1, v3  }
0x68: {  	[tilespmem:s25], [sflag:$0x1] =	stream.indirect_vreg.gather [hbm4b:s5+s3], $0x80, v4, vm0, $0xb8;
	[tilespmem:$0x10080] =	vst v63  }
0x69: {  	_ = 	snop  }
0x6a: {  	[tilespmem:s26], [sflag:$0x1] =	stream.indirect_vreg.gather [hbm4b:s6+s3], $0x80, v4, vm0, $0xb8;
	[tilespmem:$0x10080] =	vst v63  }
0x6b: {  	_ = 	snop  }
0x6c: {  	[tilespmem:s28], [sflag:$0x1] =	stream.indirect_vreg.gather [hbm4b:s2+s3], $0x80, v3, vm0, $0xb8;
	[tilespmem:$0x10080] =	vst v63  }
0x6d: {  	_ = 	snop  }
0x6e: {  	[tilespmem:s29], [sflag:$0x1] =	stream.indirect_vreg.gather [hbm4b:s4+s3], $0x80, v3, vm0, $0xb8;
	[tilespmem:$0x10080] =	vst v63  }
0x6f: {  	_ = 	snop  }
0x70: {  	[tilespmem:s30], [sflag:$0x1] =	stream.indirect_vreg.gather [hbm4b:s5+s3], $0x80, v3, vm0, $0xb8;
	[tilespmem:$0x10080] =	vst v63  }
0x71: {  	_ = 	snop  }
0x72: {  	[tilespmem:s31], [sflag:$0x1] =	stream.indirect_vreg.gather [hbm4b:s6+s3], $0x80, v3, vm0, $0xb8;
	[tilespmem:$0x10080] =	vst v63  }
0x73: {  	_ =	swait.ge [sflag:s1], $0x10000  }
0x74: {  	p0 =	sne.s32 s7, $0x1;
	[sflag:s1] =	ssyncset.done $0x0  }
.Ltmp0:
0x75: {  	s10 =	rddreg [dreg:$0x4];
	[sflag:s1] =	ssyncadd.s32 $0xFFFF0000;
	(pc) =	sbr.rel @p0 .LBB2_1-.Ltmp0, $4  }
0x76: {  	[hbm4b:s10+s3] =	stream.linear.scatter [tilespmem:s9], [sflag:$0x2], $0x10000, $0x38;
	[tilespmem:$0x10080] =	vst v63  }
0x77: {  	_ =	swait.ge [sflag:s8], $0x10000  }
0x78: {  	[sflag:s8] =	ssyncset.done $0x0  }
0x79: {  	s7 =	sadd.s32 $0xFFFFFFFF, s7;
	[sflag:s8] =	ssyncadd.s32 $0xFFFF0000  }
0x7a: {  	_ =	sfence.sel $0x180000  }
0x7b: {  	[bflag:$0x0] =	sbarrier.arrive $0xFFFF  }
0x7c: {  	_ =	strace $0x9000004A  }
0x7d: {  	s0 =	stileid.u32;
	[bflag:$0x2] =	sbarrier.arrive $0xFFFF  }
0x7e: {  	p0 =	sne.s32 s0, $0x0;
	s0 =	rddreg [dreg:$0x2]  }
0x7f: {  	s0 =	sadd.s32 @!p0 $0x100000, s0  }
0x80: {  	[sflag:s0] =	ssyncadd.tile.s32 @!p0 $0x1;
	_ =	shalt  }
.Lfunc_end2:
_tile_overlayer_lowered:
.L_overlay_start_2:
0x81: {  	(tag) =	ssettag $0x2  }
0x82: {  	s0 =	rddreg [dreg:$0x0];
	s2 =	stileid.u32  }
0x83: {  	s1 =	rddreg [dreg:$0x1];
	p0 =	sne.s32 s2, $0x0  }
0x84: {  	s3 =	rddreg [dreg:$0x2];
	[bflag:$0x3] =	sbarrier.arrive $0xFFFF;
	s2 =	simm.s32 @!p0 $0x1C02  }
0x85: {  	[timem:s3], [sflag:s2] =	dma.local @!p0 [hbm:s0], s1  }
0x86: {  	s0 =	simm.s32 @!p0 $0x2  }
0x87: {  	_ =	swait.ge @!p0 [sflag:s0], s1  }
0x88: {  	s1 =	ssub.s32 @!p0 $0x0, s1;
	[sflag:s0] =	ssyncset.done @!p0 $0x0  }
0x89: {  	[sflag:s0] =	ssyncadd.s32 @!p0 s1  }
0x8a: {  	[bflag:$0x3] =	sbarrier.arrive $0xFFFF  }
0x8b: {  	_ =	shalt  }

// kernel: kernel.7.cloned.1.call-start
scs
__scs_entry_jumppad:
0x0: {  	(pc) =	sbr.rel $0x88, $3  }
0x1: {  	(tag) =	ssettag $0x0;
	lr =	simm.s32 $0x1  }
0x2: {  	[smem:$0x3F99] =	sst lr;
	_ =	strace $0xD0000000  }
0x3: {  	_ = 	snop  }
0x4: {  	_ = 	snop  }
0x5: {  	_ = 	snop  }
0x6: {  	_ = 	snop  }
0x7: {  	_ = 	snop  }
__scs_overlays_trampoline_lowered:
0x8: {  	[smem:$0x3FA8] =	sst s0  }
0x9: {  	[smem:$0x3FA9] =	sst s1  }
0xa: {  	[smem:$0x3FAA] =	sst s2  }
0xb: {  	[smem:$0x3FAB] =	sst s3  }
0xc: {  	[smem:$0x3FAC] =	sst s4  }
0xd: {  	[smem:$0x3FAD] =	sst s5  }
0xe: {  	[smem:$0x3FAE] =	sst s6  }
0xf: {  	[smem:$0x3FAF] =	sst s7  }
0x10: {  	[smem:$0x3FB0] =	sst s8  }
0x11: {  	[smem:$0x3FB1] =	sst s9;
	s0 =	simm.s32 @!p0 $0x0  }
0x12: {  	s1 =	sld [smem:$0x3F97];
	s0 =	simm.s32 @p0 $0x1  }
0x13: {  	[smem:$0x3FB2] =	sst s0;
	s0 =	simm.s32 @!p1 $0x0  }
0x14: {  	s2 =	sld [smem:$0x3F96];
	s0 =	simm.s32 @p1 $0x1  }
0x15: {  	[smem:$0x3FB3] =	sst s0;
	s0 =	simm.s32 @!p2 $0x0  }
0x16: {  	s3 =	sld [smem:$0x3FDB];
	s0 =	simm.s32 @p2 $0x1  }
0x17: {  	s4 =	simm.s32 $0x1BF5;
	[smem:$0x3FB5] =	sst s0  }
0x18: {  	s0 =	sld [smem:$0x3F98];
	_ =	swait.ge [sflag:s4], $0x0  }
0x19: {  	s7 =	sld [smem:$0x3F99]  }
0x1a: {  	s8 =	sadd.s32 $0xFFFFE003, lr  }
0x1b: {  	s9 =	sadd.s32 $0xFFFFFEF7, lr;
	s5 =	simm.s32 $0xFFFFFFFF;
	p2 =	slt.u32 s8, $0xFFFFF086  }
0x1c: {  	p1 =	slt.u32 s9, $0xF7A;
	s5 =	simm.s32 @!p2 $0x0  }
0x1d: {  	s5 =	simm.s32 @p1 $0x1;
	p0 =	seq.s32 s7, s2  }
0x1e: {  	s7 =	smul.u32 @!p0 $0xF7A, s2;
	p2 =	seq.s32 @!p0 s5, $0x0  }
0x1f: {  	s9 =	smul.u32 $0xF7A, s1;
	s8 =	simm.s32 @!p0 $0x1BF5;
	p2 =	por !p2, p0  }
0x20: {  	[sflag:s8] =	ssyncset.s32 @!p0 $0xFFFFF086;
	s6 =	sadd.s32 @!p0 s3, s7;
	s7 =	simm.s32 @!p0 $0x108  }
0x21: {  	s3 =	sadd.s32 s3, s9;
	s6 =	sadd.s32 @!p0 $0x88, s6;
	s7 =	simm.s32 @p2 $0x1082  }
0x22: {  	[simem:s7], [sflag:s8] =	dma.local @!p0 [hbm:s6], $0xF7A  }
0x23: {  	s9 =	sor.u32 $0xD0000000, s2;
	s6 =	simm.s32 $0x108;
	_ =	swait.ge @!p0 [sflag:s8], $0x0  }
0x24: {  	s3 =	sadd.s32 $0x88, s3;
	s6 =	simm.s32 @!p1 $0x1082;
	[sflag:s4] =	ssyncset.s32 $0xFFFFF086  }
0x25: {  	[simem:s6], [sflag:s4] =	dma.local [hbm:s3], $0xF7A  }
0x26: {  	[smem:$0x3F99] =	sst s1;
	(tag) =	ssettag s2;
	_ =	strace s9  }
0x27: {  	s1 =	sld [smem:$0x3FA9]  }
0x28: {  	s2 =	sld [smem:$0x3FAA]  }
0x29: {  	s4 =	sld [smem:$0x3FAC]  }
0x2a: {  	p0 =	seq.s32 s5, $0x0;
	s5 =	sld [smem:$0x3FAD]  }
0x2b: {  	s6 =	sld [smem:$0x3FAE]  }
0x2c: {  	s7 =	sld [smem:$0x3FAF]  }
0x2d: {  	s3 =	simm.s32 $0x108;
	s8 =	sld [smem:$0x3FB0]  }
0x2e: {  	s3 =	simm.s32 @!p0 $0x1082;
	s9 =	sld [smem:$0x3FB1]  }
0x2f: {  	lr =	sadd.s32 s0, s3;
	s0 =	sld [smem:$0x3FA8]  }
0x30: {  	s3 =	sld [smem:$0x3FAB]  }
0x31: {  	[smem:$0x3FB4] =	sst s10  }
0x32: {  	s10 =	sld [smem:$0x3FB2];
	_ =	sdelay $0x3  }
0x33: {  	p0 =	seq.s32 s10, $0x1;
	s10 =	sld [smem:$0x3FB4];
	_ =	sdelay $0x3  }
0x34: {  	[smem:$0x3FB4] =	sst s10  }
0x35: {  	s10 =	sld [smem:$0x3FB3];
	_ =	sdelay $0x3  }
0x36: {  	p1 =	seq.s32 s10, $0x1;
	s10 =	sld [smem:$0x3FB4];
	_ =	sdelay $0x3  }
0x37: {  	[smem:$0x3FB4] =	sst s10  }
0x38: {  	s10 =	sld [smem:$0x3FB5]  }
0x39: {  	_ = 	snop;
	(pc) =	sbr.ind lr, $3  }
0x3a: {  	_ = 	snop  }
0x3b: {  	_ = 	snop  }
0x3c: {  	p2 =	seq.s32 s10, $0x1;
	s10 =	sld [smem:$0x3FB4]  }
0x3d: {  	_ =	shalt  }
0x3e: {  	_ =	shalt  }
0x3f: {  	_ =	shalt  }
0x40: {  	_ =	shalt  }
0x41: {  	_ =	shalt  }
0x42: {  	_ =	shalt  }
0x43: {  	_ =	shalt  }
0x44: {  	_ =	shalt  }
0x45: {  	_ =	shalt  }
0x46: {  	_ =	shalt  }
0x47: {  	_ =	shalt  }
0x48: {  	_ =	shalt  }
0x49: {  	_ =	shalt  }
0x4a: {  	_ =	shalt  }
0x4b: {  	_ =	shalt  }
0x4c: {  	_ =	shalt  }
0x4d: {  	_ =	shalt  }
0x4e: {  	_ =	shalt  }
0x4f: {  	_ =	shalt  }
0x50: {  	_ =	shalt  }
0x51: {  	_ =	shalt  }
0x52: {  	_ =	shalt  }
0x53: {  	_ =	shalt  }
0x54: {  	_ =	shalt  }
0x55: {  	_ =	shalt  }
0x56: {  	_ =	shalt  }
0x57: {  	_ =	shalt  }
0x58: {  	_ =	shalt  }
0x59: {  	_ =	shalt  }
0x5a: {  	_ =	shalt  }
0x5b: {  	_ =	shalt  }
0x5c: {  	_ =	shalt  }
0x5d: {  	_ =	shalt  }
0x5e: {  	_ =	shalt  }
0x5f: {  	_ =	shalt  }
0x60: {  	_ =	shalt  }
0x61: {  	_ =	shalt  }
0x62: {  	_ =	shalt  }
0x63: {  	_ =	shalt  }
0x64: {  	_ =	shalt  }
0x65: {  	_ =	shalt  }
0x66: {  	_ =	shalt  }
0x67: {  	_ =	shalt  }
0x68: {  	_ =	shalt  }
0x69: {  	_ =	shalt  }
0x6a: {  	_ =	shalt  }
0x6b: {  	_ =	shalt  }
0x6c: {  	_ =	shalt  }
0x6d: {  	_ =	shalt  }
0x6e: {  	_ =	shalt  }
0x6f: {  	_ =	shalt  }
0x70: {  	_ =	shalt  }
0x71: {  	_ =	shalt  }
0x72: {  	_ =	shalt  }
0x73: {  	_ =	shalt  }
0x74: {  	_ =	shalt  }
0x75: {  	_ =	shalt  }
0x76: {  	_ =	shalt  }
0x77: {  	_ =	shalt  }
0x78: {  	_ =	shalt  }
0x79: {  	_ =	shalt  }
0x7a: {  	_ =	shalt  }
0x7b: {  	_ =	shalt  }
0x7c: {  	_ =	shalt  }
0x7d: {  	_ =	shalt  }
0x7e: {  	_ =	shalt  }
0x7f: {  	_ =	shalt  }
0x80: {  	_ =	shalt  }
0x81: {  	_ =	shalt  }
0x82: {  	_ =	shalt  }
0x83: {  	_ =	shalt  }
0x84: {  	_ =	shalt  }
0x85: {  	_ =	shalt  }
0x86: {  	_ =	shalt  }
0x87: {  	_ =	shalt  }
.Lfunc_end0:
.L_simem_size_0:
called_computation_lowered:
.L_overlay_start_0:
0x88: {  	s2 =	sld [smem:$0x3FD9]  }
0x89: {  	s3 =	sld [smem:$0x3FFE];
	_ =	sdelay $0x1  }
0x8a: {  	s1 =	srdreg.scid  }
0x8b: {  	s0 =	sand.u32 $0x1, s1  }
0x8c: {  	s17 =	sshll.u32 s0, $0xA;
	s2 =	sadd.s32 s3, s2  }
0x8d: {  	s2 =	sadd.s32 s2, s17  }
0x8e: {  	[smem:$0x3FC0] =	sst s2  }
0x8f: {  	_ = 	snop  }
0x90: {  	s2 =	sld [smem:$0x3FD0];
	(tm) =	ssettm $0x1  }
0x91: {  	s18 =	sld [smem:$0x3FFB];
	_ =	sdelay $0x3  }
0x92: {  	_ =	strace s18  }
0x93: {  	s3 =	sld [smem:$0x3FFC];
	_ =	sdelay $0x3  }
0x94: {  	_ =	strace s3  }
0x95: {  	s3 =	sld [smem:$0x3FFD];
	_ =	sdelay $0x3  }
0x96: {  	_ =	strace s3  }
0x97: {  	_ =	strace $0x8FFFFFFF  }
0x98: {  	s19 =	sld [smem:$0x3FDB];
	_ =	sdelay $0x1  }
0x99: {  	s4 =	simm.s32 $_scs_section_size  }
0x9a: {  	s5 =	simm.s32 $_size__tile_overlayer_lowered;
	s6 =	simm.s32 $_tile_overlayer_lowered  }
0x9b: {  	s22 =	simm.s32 $0x1BFF;
	s21 =	sshll.u32 s6, $0x1;
	s3 =	sadd.s32 s4, s19  }
0x9c: {  	s7 =	simm.s32 $0x0;
	s20 =	sshll.u32 s5, $0x1;
	s5 =	sadd.s32 s21, s3  }
0x9d: {  	[timem:s7], [sflag:s22] =	dma.local [hbm:s5], s20  }
0x9e: {  	_ =	swait.ge [sflag:s22], s20  }
0x9f: {  	s4 =	ssub.s32 $0x0, s20;
	[sflag:s22] =	ssyncset.done $0x0  }
0xa0: {  	[sflag:s22] =	ssyncadd.s32 s4;
	_ =	sdelay $0x1  }
0xa1: {  	s23 =	simm.s32 $0x1B8B  }
0xa2: {  	_ =	swait.ge [sflag:s23], $0x1  }
0xa3: {  	[sflag:s23] =	ssyncset.done $0x0  }
0xa4: {  	s25 =	simm.s32 $0x1B8E;
	s24 =	sld [smem:$0x3FFE];
	[sflag:s23] =	ssyncadd.s32 $0xFFFFFFFF  }
0xa5: {  	s26 =	simm.s32 $execute0_lowered;
	[smem:$0x3FD2] =	sst s25  }
0xa6: {  	s5 =	sshll.u32 s26, $0x1;
	_ =	strace $0x80000046;
	[dreg:$0x1] =	wrdreg $0xFFFFFFFF  }
0xa7: {  	s28 =	simm.s32 $_size_execute0_lowered;
	s3 =	sadd.s32 s3, s5;
	[dreg:$0x0] =	wrdreg $0x0  }
0xa8: {  	s5 =	sshll.u32 s28, $0x1;
	[dreg:$0x2] =	wrdreg s3  }
0xa9: {  	[dreg:$0x3] =	wrdreg s5  }
0xaa: {  	[dreg:$0x4] =	wrdreg $0xC0  }
0xab: {  	_ =	task [dreg:s7], $0x5FFFF  }
0xac: {  	[dreg:$0x1] =	wrdreg $0xFFFFFFFF  }
0xad: {  	[dreg:$0x0] =	wrdreg $0x60  }
0xae: {  	[dreg:$0x2] =	wrdreg s24  }
0xaf: {  	[dreg:$0x3] =	wrdreg s2  }
0xb0: {  	[dreg:$0x4] =	wrdreg $0x9  }
0xb1: {  	_ =	task.clear_ibuf [dreg:s7], $0x5FFFF;
	_ =	strace $0x90000046  }
0xb2: {  	s29 =	simm.s32 $0x9;
	_ =	strace $0x80000048  }
0xb3: {  	_ =	swait.ge [sflag:s29], $0x1  }
0xb4: {  	[sflag:s29] =	ssyncadd.s32 $0xFFFFFFFF  }
0xb5: {  	_ =	strace $0x90000048  }
0xb6: {  	_ =	sfence  }
0xb7: {  	s30 =	sld [smem:$0x0];
	_ =	sdelay $0x2  }
0xb8: {  	s31 =	sshll.u32 s1, $0xD;
	s1 =	sshrl.u32 s1, $0x2  }
0xb9: {  	s3 =	sand.u32 $0x4000, s31;
	s1 =	sadd.s32 s1, s30  }
0xba: {  	s0 =	sor.u32 s3, s0;
	s1 =	sshll.u32 s1, $0x11  }
0xbb: {  	s0 =	sor.u32 s1, s0  }
0xbc: {  	s0 =	sadd.s32 $0x8F2B, s0  }
0xbd: {  	[sflag:s0] =	ssyncadd.remote.s32 $0x1  }
0xbe: {  	_ =	sfence.sel $0xFFFF  }
0xbf: {  	[dreg:$0x0] =	wrdreg $0xFFFFFFFF;
	(pc) =	sbr.abs _section_cstart, $3  }
0xc0: {  	[dreg:$0x1] =	wrdreg $0xFFFFFFFF  }
0xc1: {  	_ =	task.clear_ibuf [dreg:s7], $0x2FFFF;
	_ =	strace $0x9FFFFFFF  }
0xc2: {  	(tm) =	ssettm $0x7FFFFFFF  }
0xc3: {  	_ =	shalt  }
tec
execute0_lowered:
.L_overlay_start_1:
0x0: {  	(tag) =	ssettag $0x1  }
0x1: {  	s1 =	srdreg.scid  }
0x2: {  	s0 =	stileid.u32;
	s6 =	rddreg [dreg:$0x0]  }
0x3: {  	s4 =	rddreg [dreg:$0x1];
	s18 =	simm.s32 $0x880;
	s19 =	simm.s32 $0x1080  }
0x4: {  	s20 =	simm.s32 $0x1880;
	s22 =	simm.s32 $0x2080;
	s23 =	simm.s32 $0x2880  }
0x5: {  	s7 =	simm.s32 $0x3080;
	s24 =	simm.s32 $0x3880;
	s8 =	simm.s32 $0x4080  }
0x6: {  	s25 =	simm.s32 $0x4880;
	s26 =	simm.s32 $0x5080;
	s1 =	sand.u32 $0x1, s1  }
0x7: {  	s9 =	simm.s32 $0x80;
	s2 =	sshll.u32 s0, $0x7;
	s3 =	sshll.u32 s1, $0x6  }
0x8: {  	s11 =	simm.s32 $0x6080;
	s3 =	sor.u32 s3, s2;
	s2 =	simm.s32 $0x0  }
0x9: {  	s12 =	simm.s32 $0x6880;
	s13 =	simm.s32 $0x7080;
	[smem:$0x7FF] =	sst s2  }
0xa: {  	s14 =	simm.s32 $0x7880;
	_ =	strace $0x80000047;
	[dreg:$0x5] =	wrdreg s18  }
0xb: {  	s15 =	simm.s32 $0x8080;
	s16 =	simm.s32 $0x8880;
	[dreg:$0x6] =	wrdreg s19  }
0xc: {  	s17 =	simm.s32 $0x9080;
	s28 =	simm.s32 $0xE080;
	[dreg:$0x7] =	wrdreg s20  }
0xd: {  	s29 =	simm.s32 $0xE880;
	s30 =	simm.s32 $0xF080;
	[dreg:$0x8] =	wrdreg s22  }
0xe: {  	s31 =	simm.s32 $0xF880;
	s1 =	ssub.s32 $0x2, s1;
	[dreg:$0x9] =	wrdreg s23  }
0xf: {  	s21 =	sshrl.u32 s1, $0x1;
	s5 =	sshrl.u32 s3, $0x3;
	[dreg:$0xa] =	wrdreg s7  }
0x10: {  	s3 =	sshll.u32 s3, $0x7;
	s1 =	ssub.s32 s1, s21;
	[dreg:$0xb] =	wrdreg s24  }
0x11: {  	s21 =	simm.s32 $0xB080;
	s5 =	sadd.s32 s5, s6;
	[dreg:$0xc] =	wrdreg s8  }
0x12: {  	s3 =	sadd.s32 s4, s3;
	s4 =	sadd.s32 $0x2500, s6;
	[dreg:$0xd] =	wrdreg s25  }
0x13: {  	s7 =	smax.u32 s1, $0x1;
	s8 =	simm.s32 $0x2;
	[dreg:$0xe] =	wrdreg s26  }
0x14: {  	s18 =	simm.s32 $0x9880;
	s19 =	simm.s32 $0xA080;
	s20 =	simm.s32 $0xA880  }
0x15: {  	s22 =	simm.s32 $0xB880;
	s23 =	simm.s32 $0xC080;
	s24 =	simm.s32 $0xC880  }
0x16: {  	v2 =	vlaneseq.u32;
	s25 =	simm.s32 $0xD080;
	s26 =	simm.s32 $0xD880;
	s1 =	simm.s32 $0x1  }
0x17: {  	vm0 =	vmmov $0xffff;
	v1 =	vshrl.u32 v2, $0x3;
	s5 =	sadd.s32 $0x2200, s5;
	[dreg:$0x4] =	wrdreg s3;
	s3 =	sadd.s32 $0x2400, s6  }
0x18: {  	v0 =	vand.u32 $0x7, v2;
	v2 =	vor.u32 $0x8, v2;
	v1 =	vmul.u32 $0x8, v1;
	[dreg:$0x3] =	wrdreg s5;
	s5 =	sadd.s32 $0x2600, s6;
	s6 =	sadd.s32 $0x2700, s6  }
.LBB2_1:
0x19: {  	s0 =	rddreg [dreg:$0x3]  }
0x1a: {  	[tilespmem:s2], [sflag:$0x2] =	stream.linear.gather [hbm4b:s0+s2], $0x40, $0x38;
	[tilespmem:$0x10080] =	vst v63  }
0x1b: {  	_ =	swait.ge [sflag:s8], $0x40  }
0x1c: {  	[sflag:s8] =	ssyncset.done $0x0  }
0x1d: {  	s10 =	rddreg [dreg:$0x4];
	[sflag:s8] =	ssyncadd.s32 $0xFFFFFFC0  }
0x1e: {  	[tilespmem:s9], [sflag:$0x2] =	stream.linear.gather [hbm4b:s10+s2], $0x10000, $0x38;
	[tilespmem:$0x10080] =	vst v63  }
0x1f: {  	_ =	swait.ge [sflag:s8], $0x10000  }
0x20: {  	[sflag:s8] =	ssyncset.done $0x0  }
0x21: {  	[sflag:s8] =	ssyncadd.s32 $0xFFFF0000  }
0x22: {  	v3 =	vld [tilespmem:$0x0];
	_ =	sdelay $0x4  }
0x23: {  	v4 =	vshll.u32 v3, $0x3  }
0x24: {  	v3 =	vand.u32 $0x7, v3;
	v4 =	vand.u32 $0xFFFFFFC0, v4  }
0x25: {  	v3 =	vor.u32 v3, v4  }
0x26: {  	v4 =	vperm.xlane v3, v0;
	_ =	sdelay $0x1  }
0x27: {  	v4 =	vadd.s32 v1, v4;
	_ =	sdelay $0x4  }
0x28: {  	[hbm4b:s3+s2] =	stream.indirect_vreg.scatter [tilespmem:s9], [sflag:$0x1], $0x80, v4, vm0, $0xb8;
	[tilespmem:$0x10080] =	vst v63  }
0x29: {  	s0 =	rddreg [dreg:$0x5];
	v3 =	vperm.xlane v3, v2  }
0x2a: {  	[hbm4b:s4+s2] =	stream.indirect_vreg.scatter [tilespmem:s0], [sflag:$0x1], $0x80, v4, vm0, $0xb8;
	[tilespmem:$0x10080] =	vst v63  }
0x2b: {  	s10 =	rddreg [dreg:$0x6];
	v3 =	vadd.s32 v1, v3  }
0x2c: {  	[hbm4b:s5+s2] =	stream.indirect_vreg.scatter [tilespmem:s10], [sflag:$0x1], $0x80, v4, vm0, $0xb8;
	[tilespmem:$0x10080] =	vst v63  }
0x2d: {  	s0 =	rddreg [dreg:$0x7]  }
0x2e: {  	[hbm4b:s6+s2] =	stream.indirect_vreg.scatter [tilespmem:s0], [sflag:$0x1], $0x80, v4, vm0, $0xb8;
	[tilespmem:$0x10080] =	vst v63  }
0x2f: {  	s10 =	rddreg [dreg:$0x8]  }
0x30: {  	[hbm4b:s3+s2] =	stream.indirect_vreg.scatter [tilespmem:s10], [sflag:$0x1], $0x80, v3, vm0, $0xb8;
	[tilespmem:$0x10080] =	vst v63  }
0x31: {  	s0 =	rddreg [dreg:$0x9]  }
0x32: {  	[hbm4b:s4+s2] =	stream.indirect_vreg.scatter [tilespmem:s0], [sflag:$0x1], $0x80, v3, vm0, $0xb8;
	[tilespmem:$0x10080] =	vst v63  }
0x33: {  	s10 =	rddreg [dreg:$0xa]  }
0x34: {  	[hbm4b:s5+s2] =	stream.indirect_vreg.scatter [tilespmem:s10], [sflag:$0x1], $0x80, v3, vm0, $0xb8;
	[tilespmem:$0x10080] =	vst v63  }
0x35: {  	s0 =	rddreg [dreg:$0xb]  }
0x36: {  	[hbm4b:s6+s2] =	stream.indirect_vreg.scatter [tilespmem:s0], [sflag:$0x1], $0x80, v3, vm0, $0xb8;
	[tilespmem:$0x10080] =	vst v63  }
0x37: {  	v3 =	vld [tilespmem:$0x10];
	_ =	sdelay $0x4  }
0x38: {  	v61 =	vshll.u32 v3, $0x3  }
0x39: {  	v3 =	vand.u32 $0x7, v3;
	v4 =	vand.u32 $0xFFFFFFC0, v61  }
0x3a: {  	v3 =	vor.u32 v3, v4  }
0x3b: {  	v4 =	vperm.xlane v3, v0;
	_ =	sdelay $0x1  }
0x3c: {  	v4 =	vadd.s32 v1, v4;
	_ =	sdelay $0x3  }
0x3d: {  	s0 =	rddreg [dreg:$0xc]  }
0x3e: {  	[hbm4b:s3+s2] =	stream.indirect_vreg.scatter [tilespmem:s0], [sflag:$0x1], $0x80, v4, vm0, $0xb8;
	[tilespmem:$0x10080] =	vst v63  }
0x3f: {  	s10 =	rddreg [dreg:$0xd];
	v3 =	vperm.xlane v3, v2  }
0x40: {  	[hbm4b:s4+s2] =	stream.indirect_vreg.scatter [tilespmem:s10], [sflag:$0x1], $0x80, v4, vm0, $0xb8;
	[tilespmem:$0x10080] =	vst v63  }
0x41: {  	v3 =	vadd.s32 v1, v3;
	s0 =	rddreg [dreg:$0xe]  }
0x42: {  	[hbm4b:s5+s2] =	stream.indirect_vreg.scatter [tilespmem:s0], [sflag:$0x1], $0x80, v4, vm0, $0xb8;
	[tilespmem:$0x10080] =	vst v63  }
0x43: {  	s10 =	simm.s32 $0x5880  }
0x44: {  	[hbm4b:s6+s2] =	stream.indirect_vreg.scatter [tilespmem:s10], [sflag:$0x1], $0x80, v4, vm0, $0xb8;
	[tilespmem:$0x10080] =	vst v63  }
0x45: {  	_ = 	snop  }
0x46: {  	[hbm4b:s3+s2] =	stream.indirect_vreg.scatter [tilespmem:s11], [sflag:$0x1], $0x80, v3, vm0, $0xb8;
	[tilespmem:$0x10080] =	vst v63  }
0x47: {  	_ = 	snop  }
0x48: {  	[hbm4b:s4+s2] =	stream.indirect_vreg.scatter [tilespmem:s12], [sflag:$0x1], $0x80, v3, vm0, $0xb8;
	[tilespmem:$0x10080] =	vst v63  }
0x49: {  	_ = 	snop  }
0x4a: {  	[hbm4b:s5+s2] =	stream.indirect_vreg.scatter [tilespmem:s13], [sflag:$0x1], $0x80, v3, vm0, $0xb8;
	[tilespmem:$0x10080] =	vst v63  }
0x4b: {  	_ = 	snop  }
0x4c: {  	[hbm4b:s6+s2] =	stream.indirect_vreg.scatter [tilespmem:s14], [sflag:$0x1], $0x80, v3, vm0, $0xb8;
	[tilespmem:$0x10080] =	vst v63  }
0x4d: {  	v3 =	vld [tilespmem:$0x20];
	_ =	sdelay $0x4  }
0x4e: {  	v62 =	vshll.u32 v3, $0x3  }
0x4f: {  	v3 =	vand.u32 $0x7, v3;
	v4 =	vand.u32 $0xFFFFFFC0, v62  }
0x50: {  	v3 =	vor.u32 v3, v4  }
0x51: {  	v4 =	vperm.xlane v3, v0;
	_ =	sdelay $0x1  }
0x52: {  	v4 =	vadd.s32 v1, v4;
	_ =	sdelay $0x4  }
0x53: {  	[hbm4b:s3+s2] =	stream.indirect_vreg.scatter [tilespmem:s15], [sflag:$0x1], $0x80, v4, vm0, $0xb8;
	[tilespmem:$0x10080] =	vst v63  }
0x54: {  	v3 =	vperm.xlane v3, v2  }
0x55: {  	[hbm4b:s4+s2] =	stream.indirect_vreg.scatter [tilespmem:s16], [sflag:$0x1], $0x80, v4, vm0, $0xb8;
	[tilespmem:$0x10080] =	vst v63  }
0x56: {  	v3 =	vadd.s32 v1, v3  }
0x57: {  	[hbm4b:s5+s2] =	stream.indirect_vreg.scatter [tilespmem:s17], [sflag:$0x1], $0x80, v4, vm0, $0xb8;
	[tilespmem:$0x10080] =	vst v63  }
0x58: {  	_ = 	snop  }
0x59: {  	[hbm4b:s6+s2] =	stream.indirect_vreg.scatter [tilespmem:s18], [sflag:$0x1], $0x80, v4, vm0, $0xb8;
	[tilespmem:$0x10080] =	vst v63  }
0x5a: {  	_ = 	snop  }
0x5b: {  	[hbm4b:s3+s2] =	stream.indirect_vreg.scatter [tilespmem:s19], [sflag:$0x1], $0x80, v3, vm0, $0xb8;
	[tilespmem:$0x10080] =	vst v63  }
0x5c: {  	_ = 	snop  }
0x5d: {  	[hbm4b:s4+s2] =	stream.indirect_vreg.scatter [tilespmem:s20], [sflag:$0x1], $0x80, v3, vm0, $0xb8;
	[tilespmem:$0x10080] =	vst v63  }
0x5e: {  	_ = 	snop  }
0x5f: {  	[hbm4b:s5+s2] =	stream.indirect_vreg.scatter [tilespmem:s21], [sflag:$0x1], $0x80, v3, vm0, $0xb8;
	[tilespmem:$0x10080] =	vst v63  }
0x60: {  	_ = 	snop  }
0x61: {  	[hbm4b:s6+s2] =	stream.indirect_vreg.scatter [tilespmem:s22], [sflag:$0x1], $0x80, v3, vm0, $0xb8;
	[tilespmem:$0x10080] =	vst v63  }
0x62: {  	v3 =	vld [tilespmem:$0x30];
	_ =	sdelay $0x4  }
0x63: {  	v63 =	vshll.u32 v3, $0x3  }
0x64: {  	v3 =	vand.u32 $0x7, v3;
	v4 =	vand.u32 $0xFFFFFFC0, v63  }
0x65: {  	v3 =	vor.u32 v3, v4  }
0x66: {  	v4 =	vperm.xlane v3, v0;
	_ =	sdelay $0x1  }
0x67: {  	v4 =	vadd.s32 v1, v4;
	_ =	sdelay $0x4  }
0x68: {  	[hbm4b:s3+s2] =	stream.indirect_vreg.scatter [tilespmem:s23], [sflag:$0x1], $0x80, v4, vm0, $0xb8;
	[tilespmem:$0x10080] =	vst v63  }
0x69: {  	v3 =	vperm.xlane v3, v2  }
0x6a: {  	[hbm4b:s4+s2] =	stream.indirect_vreg.scatter [tilespmem:s24], [sflag:$0x1], $0x80, v4, vm0, $0xb8;
	[tilespmem:$0x10080] =	vst v63  }
0x6b: {  	v3 =	vadd.s32 v1, v3  }
0x6c: {  	[hbm4b:s5+s2] =	stream.indirect_vreg.scatter [tilespmem:s25], [sflag:$0x1], $0x80, v4, vm0, $0xb8;
	[tilespmem:$0x10080] =	vst v63  }
0x6d: {  	_ = 	snop  }
0x6e: {  	[hbm4b:s6+s2] =	stream.indirect_vreg.scatter [tilespmem:s26], [sflag:$0x1], $0x80, v4, vm0, $0xb8;
	[tilespmem:$0x10080] =	vst v63  }
0x6f: {  	_ = 	snop  }
0x70: {  	[hbm4b:s3+s2] =	stream.indirect_vreg.scatter [tilespmem:s28], [sflag:$0x1], $0x80, v3, vm0, $0xb8;
	[tilespmem:$0x10080] =	vst v63  }
0x71: {  	_ = 	snop  }
0x72: {  	[hbm4b:s4+s2] =	stream.indirect_vreg.scatter [tilespmem:s29], [sflag:$0x1], $0x80, v3, vm0, $0xb8;
	[tilespmem:$0x10080] =	vst v63  }
0x73: {  	p0 =	sne.s32 s7, $0x1  }
0x74: {  	[hbm4b:s5+s2] =	stream.indirect_vreg.scatter [tilespmem:s30], [sflag:$0x1], $0x80, v3, vm0, $0xb8;
	[tilespmem:$0x10080] =	vst v63  }
.Ltmp0:
0x75: {  	_ = 	snop;
	(pc) =	sbr.rel @p0 .LBB2_1-.Ltmp0, $4  }
0x76: {  	[hbm4b:s6+s2] =	stream.indirect_vreg.scatter [tilespmem:s31], [sflag:$0x1], $0x80, v3, vm0, $0xb8;
	[tilespmem:$0x10080] =	vst v63  }
0x77: {  	_ =	swait.ge [sflag:s1], $0x10000  }
0x78: {  	[sflag:s1] =	ssyncset.done $0x0  }
0x79: {  	s7 =	sadd.s32 $0xFFFFFFFF, s7;
	[sflag:s1] =	ssyncadd.s32 $0xFFFF0000  }
0x7a: {  	_ =	sfence.sel $0x180000  }
0x7b: {  	[bflag:$0x0] =	sbarrier.arrive $0xFFFF  }
0x7c: {  	_ =	strace $0x90000047  }
0x7d: {  	s0 =	stileid.u32;
	[bflag:$0x2] =	sbarrier.arrive $0xFFFF  }
0x7e: {  	p0 =	sne.s32 s0, $0x0;
	s0 =	rddreg [dreg:$0x2]  }
0x7f: {  	s0 =	sadd.s32 @!p0 $0x100000, s0  }
0x80: {  	[sflag:s0] =	ssyncadd.tile.s32 @!p0 $0x1;
	_ =	shalt  }
.Lfunc_end2:
_tile_overlayer_lowered:
.L_overlay_start_2:
0x81: {  	(tag) =	ssettag $0x2  }
0x82: {  	s0 =	rddreg [dreg:$0x0];
	s2 =	stileid.u32  }
0x83: {  	s1 =	rddreg [dreg:$0x1];
	p0 =	sne.s32 s2, $0x0  }
0x84: {  	s3 =	rddreg [dreg:$0x2];
	[bflag:$0x3] =	sbarrier.arrive $0xFFFF;
	s2 =	simm.s32 @!p0 $0x1C02  }
0x85: {  	[timem:s3], [sflag:s2] =	dma.local @!p0 [hbm:s0], s1  }
0x86: {  	s0 =	simm.s32 @!p0 $0x2  }
0x87: {  	_ =	swait.ge @!p0 [sflag:s0], s1  }
0x88: {  	s1 =	ssub.s32 @!p0 $0x0, s1;
	[sflag:s0] =	ssyncset.done @!p0 $0x0  }
0x89: {  	[sflag:s0] =	ssyncadd.s32 @!p0 s1  }
0x8a: {  	[bflag:$0x3] =	sbarrier.arrive $0xFFFF  }
0x8b: {  	_ =	shalt  }

</sc_bundles>
